<compile_context>
chip_gen: v7x
topology: tpu7x:2x2x1
jax: 0.10.2.dev20260603
libtpu: 0.0.44.dev20260713+nightly
codegen_flags: <defaults>
</compile_context>

<pallas_src>
import functools

import jax
import jax.numpy as jnp
from jax import lax
from jax.experimental import pallas as pl
from jax.experimental.pallas import tpu as pltpu
from jax.experimental.pallas import tpu_sc as plsc

N, E, D = 10000, 320000, 128
NC, NS = 2, 16
NW = NC * NS
CHUNK = 80
NCHUNK = 125
NPAD = 10000
ROWS_PT = 640
ROWS_LAST = N - 15 * ROWS_PT

_sc_mesh = plsc.VectorSubcoreMesh(core_axis_name="c", subcore_axis_name="s")


@functools.partial(
    pl.kernel,
    out_type=jax.ShapeDtypeStruct((NC, N, D), jnp.float32),
    mesh=_sc_mesh,
    scratch_types=[
        pltpu.VMEM((NCHUNK * CHUNK,), jnp.int32),
        pltpu.VMEM((NCHUNK, CHUNK), jnp.int32),
        [pltpu.VMEM((CHUNK, D), jnp.float32)] * 2,
        [pltpu.SemaphoreType.DMA] * 2,
        [pltpu.SemaphoreType.DMA] * 2,
        [pltpu.SemaphoreType.DMA] * 2,
        pltpu.VMEM_SHARED((NPAD, D), jnp.float32),
    ],
)
def _sc_aggregate(h_hbm, src_hbm, dst_hbm, zero_hbm, out_hbm,
                  src_v, dst_v, rows_v, gsem, ssem, isem, agg_sh):
    cid = lax.axis_index("c")
    sid = lax.axis_index("s")
    wid = sid * NC + cid
    r0 = sid * ROWS_PT

    pltpu.async_copy(src_hbm.at[wid], src_v, isem[0])
    pltpu.async_copy(dst_hbm.at[wid], dst_v, isem[1])

    @pl.when(sid < NS - 1)
    def _():
        @pl.when(cid == 0)
        def _():
            pltpu.sync_copy(h_hbm.at[pl.ds(r0, ROWS_PT)],
                            agg_sh.at[pl.ds(r0, ROWS_PT)])

        @pl.when(cid == 1)
        def _():
            pltpu.sync_copy(zero_hbm.at[pl.ds(r0, ROWS_PT)],
                            agg_sh.at[pl.ds(r0, ROWS_PT)])

    @pl.when(sid == NS - 1)
    def _():
        @pl.when(cid == 0)
        def _():
            pltpu.sync_copy(h_hbm.at[pl.ds(r0, ROWS_LAST)],
                            agg_sh.at[pl.ds(r0, ROWS_LAST)])

        @pl.when(cid == 1)
        def _():
            pltpu.sync_copy(zero_hbm.at[pl.ds(r0, ROWS_LAST)],
                            agg_sh.at[pl.ds(r0, ROWS_LAST)])

    def start_gather(c, buf):
        pltpu.async_copy(h_hbm.at[src_v.at[pl.ds(c * CHUNK, CHUNK)]],
                         rows_v[buf], gsem[buf])

    def wait_gather(c, buf):
        pltpu.make_async_copy(h_hbm.at[src_v.at[pl.ds(c * CHUNK, CHUNK)]],
                              rows_v[buf], gsem[buf]).wait()

    def start_scatter(c, buf):
        pltpu.async_copy(rows_v[buf], agg_sh.at[dst_v.at[c]], ssem[buf],
                         add=True)

    def wait_scatter(buf):
        pltpu.make_async_copy(rows_v[buf], agg_sh.at[dst_v.at[0]],
                              ssem[buf]).wait()

    pltpu.make_async_copy(src_hbm.at[wid], src_v, isem[0]).wait()
    start_gather(0, 0)
    pltpu.make_async_copy(dst_hbm.at[wid], dst_v, isem[1]).wait()
    plsc.subcore_barrier()


    def body(i, carry):
        c = 2 * i

        @pl.when(i >= 1)
        def _():
            wait_scatter(1)

        start_gather(c + 1, 1)
        wait_gather(c, 0)
        start_scatter(c, 0)

        @pl.when(c + 2 < NCHUNK)
        def _():
            wait_scatter(0)
            start_gather(c + 2, 0)

        wait_gather(c + 1, 1)
        start_scatter(c + 1, 1)
        return carry

    lax.fori_loop(0, (NCHUNK - 1) // 2, body, 0)
    wait_gather(NCHUNK - 1, 0)
    start_scatter(NCHUNK - 1, 0)
    wait_scatter(0)
    wait_scatter(1)
    plsc.subcore_barrier()

    @pl.when(sid < NS - 1)
    def _():
        pltpu.sync_copy(agg_sh.at[pl.ds(r0, ROWS_PT)],
                        out_hbm.at[cid, pl.ds(r0, ROWS_PT)])

    @pl.when(sid == NS - 1)
    def _():
        pltpu.sync_copy(agg_sh.at[pl.ds(r0, ROWS_LAST)],
                        out_hbm.at[cid, pl.ds(r0, ROWS_LAST)])


_BLK = 1000
_NB = N // _BLK


def _colsum_body(agg_ref, vn_ref, out_ref, acc_ref):
    step = pl.program_id(0)

    @pl.when(step == 0)
    def _():
        acc_ref[...] = jnp.zeros_like(acc_ref)

    x = jnp.squeeze(agg_ref[...], 0)
    acc_ref[...] += jnp.sum(x, axis=0, keepdims=True)

    @pl.when(step == pl.num_programs(0) - 1)
    def _():
        out_ref[...] = vn_ref[...] + acc_ref[...] * (1.0 / N)


def _matmul_body(a0_ref, a1_ref, vn_ref, w_ref, out_ref):
    x = jnp.squeeze(a0_ref[...], 0) + jnp.squeeze(a1_ref[...], 0)
    x = x + vn_ref[...]
    y = jnp.dot(x, w_ref[...], preferred_element_type=jnp.float32)
    out_ref[...] = jnp.maximum(y, 0.0)


def kernel(H, edge_index, W, virtual_node):
    src = edge_index[0].reshape(NW, NCHUNK * CHUNK)
    dst = edge_index[1].reshape(NW, NCHUNK, CHUNK)
    zeros = jnp.zeros((N, D), jnp.float32)

    agg = _sc_aggregate(H, src, dst, zeros)

    vn = pl.pallas_call(
        _colsum_body,
        grid=(NC * _NB,),
        in_specs=[
            pl.BlockSpec((1, _BLK, D), lambda i: (i // _NB, i % _NB, 0)),
            pl.BlockSpec((1, D), lambda i: (0, 0)),
        ],
        out_specs=pl.BlockSpec((1, D), lambda i: (0, 0)),
        out_shape=jax.ShapeDtypeStruct((1, D), jnp.float32),
        scratch_shapes=[pltpu.VMEM((1, D), jnp.float32)],
    )(agg, virtual_node)

    out = pl.pallas_call(
        _matmul_body,
        grid=(_NB,),
        in_specs=[
            pl.BlockSpec((1, _BLK, D), lambda i: (0, i, 0)),
            pl.BlockSpec((1, _BLK, D), lambda i: (1, i, 0)),
            pl.BlockSpec((1, D), lambda i: (0, 0)),
            pl.BlockSpec((D, D), lambda i: (0, 0)),
        ],
        out_specs=pl.BlockSpec((_BLK, D), lambda i: (i, 0)),
        out_shape=jax.ShapeDtypeStruct((N, D), jnp.float32),
    )(agg, agg, vn, W)
    return out

# --- scband reference (transcript-rebuilt; emitter-appended) ---
"""Pipeline reference for scband-gcnlayer-with-virtual-node-86818468921950 (READ-ONLY COPY).

The authoritative reference and input builder live on the scoring server;
editing this copy changes nothing except your own understanding.
"""

import jax, jax.numpy as jnp
import numpy as np

N, E, D_IN, D_OUT = 10000, 320000, 128, 128


def setup_inputs(seed: int = 0) -> dict:
    key = jax.random.key(seed)
    k1, k2, k3 = jax.random.split(key, 3)
    H = jax.random.normal(k1, (N, D_IN), dtype=jnp.float32)
    edge_index = jax.random.randint(k2, (2, E), 0, N, dtype=jnp.int32)
    # kaiming_normal_ on W[in, out]: torch fan_in = W.shape[1]
    W = jax.random.normal(k3, (D_IN, D_OUT), dtype=jnp.float32) * jnp.sqrt(2.0 / D_OUT)
    virtual_node = jnp.zeros((1, D_IN), dtype=jnp.float32)
    return {"H": H, "edge_index": edge_index, "W": W, "virtual_node": virtual_node}


def reference(H, edge_index, W, virtual_node):
    # out = H.clone(); new_H = scatter_add(H[src], dst, dim_size=N)
    msg = jnp.take(H, edge_index[0], axis=0)
    agg = jnp.zeros_like(H).at[edge_index[1]].add(msg)
    out = H + agg
    # virtual node update: vn = vn + mean(out, dim=0)
    virtual_node_msg = jnp.mean(out, axis=0, keepdims=True)
    vn = virtual_node + virtual_node_msg
    out = out + vn
    out = out @ W
    out = jax.nn.relu(out)
    return out

if __name__ == "__main__":
    import jax
    _d = setup_inputs()
    print(jax.jit(kernel)(*tuple(_d.values())))

</pallas_src>

<mosaic_0001>
#map = affine_map<(d0, d1) -> (0, 0)>
#map1 = affine_map<(d0, d1) -> (0, 0, 0)>
module attributes {stable_mosaic.version = 14 : i64} {
  func.func @_sc_aggregate(%arg0: i32, %arg1: i32, %arg2: memref<10000x128xf32, #tpu.memory_space<hbm>>, %arg3: memref<32x10000xi32, #tpu.memory_space<hbm>>, %arg4: memref<32x125x80xi32, #tpu.memory_space<hbm>>, %arg5: memref<10000x128xf32, #tpu.memory_space<hbm>>, %arg6: memref<2x10000x128xf32, #tpu.memory_space<hbm>>, %arg7: memref<10000xi32, #tpu.memory_space<vmem>>, %arg8: memref<125x80xi32, #tpu.memory_space<vmem>>, %arg9: memref<80x128xf32, #tpu.memory_space<vmem>>, %arg10: memref<80x128xf32, #tpu.memory_space<vmem>>, %arg11: memref<!tpu.dma_semaphore, #tpu.memory_space<semaphore_mem>>, %arg12: memref<!tpu.dma_semaphore, #tpu.memory_space<semaphore_mem>>, %arg13: memref<!tpu.dma_semaphore, #tpu.memory_space<semaphore_mem>>, %arg14: memref<!tpu.dma_semaphore, #tpu.memory_space<semaphore_mem>>, %arg15: memref<!tpu.dma_semaphore, #tpu.memory_space<semaphore_mem>>, %arg16: memref<!tpu.dma_semaphore, #tpu.memory_space<semaphore_mem>>, %arg17: memref<10000x128xf32, #tpu.memory_space<vmem_shared>>) attributes {dimension_semantics = [#tpu.dimension_semantics<core_parallel>, #tpu.dimension_semantics<subcore_parallel>], iteration_bounds = array<i64: 2, 16>, scalar_prefetch = 0 : i64, scratch_operands = 11 : i64, tpu.core_type = #tpu.core_type<sc_vector_subcore>, window_params = [{transform_indices = #map}, {transform_indices = #map}, {transform_indices = #map1}, {transform_indices = #map}, {transform_indices = #map1}]} {
    %mul3A = arith.constant 2 : i32
    %mul3A_0 = arith.muli %arg1, %mul3A : i32
    %add3A = arith.addi %mul3A_0, %arg0 : i32
    %mul3A_1 = arith.constant 640 : i32
    %mul3A_2 = arith.muli %arg1, %mul3A_1 : i32
    %dma_start3A = arith.constant 0 : i32
    %dma_start3A_3 = tpu.memref_slice %arg3[%add3A, %dma_start3A] : memref<32x10000xi32, #tpu.memory_space<hbm>> -> memref<1x10000xi32, #tpu.memory_space<hbm>>
    %dma_start3A_4 = tpu.memref_squeeze %dma_start3A_3 : memref<1x10000xi32, #tpu.memory_space<hbm>> -> memref<10000xi32, #tpu.memory_space<hbm>>
    %dma_start3A_5 = arith.constant 0 : i32
    %dma_start3A_6 = tpu.memref_slice %arg3[%add3A, %dma_start3A_5] : memref<32x10000xi32, #tpu.memory_space<hbm>> -> memref<1x10000xi32, #tpu.memory_space<hbm>>
    %dma_start3A_7 = tpu.memref_squeeze %dma_start3A_6 : memref<1x10000xi32, #tpu.memory_space<hbm>> -> memref<10000xi32, #tpu.memory_space<hbm>>
    tpu.enqueue_dma source(%dma_start3A_7 : memref<10000xi32, #tpu.memory_space<hbm>>) target(%arg7 : memref<10000xi32, #tpu.memory_space<vmem>>) target_semaphore(%arg15 : memref<!tpu.dma_semaphore, #tpu.memory_space<semaphore_mem>>)
    %dma_start3A_8 = arith.constant 0 : i32
    %dma_start3A_9 = arith.constant 0 : i32
    %dma_start3A_10 = tpu.memref_slice %arg4[%add3A, %dma_start3A_8, %dma_start3A_9] : memref<32x125x80xi32, #tpu.memory_space<hbm>> -> memref<1x125x80xi32, #tpu.memory_space<hbm>>
    %dma_start3A_11 = tpu.memref_squeeze %dma_start3A_10 : memref<1x125x80xi32, #tpu.memory_space<hbm>> -> memref<125x80xi32, #tpu.memory_space<hbm>>
    %dma_start3A_12 = arith.constant 0 : i32
    %dma_start3A_13 = arith.constant 0 : i32
    %dma_start3A_14 = tpu.memref_slice %arg4[%add3A, %dma_start3A_12, %dma_start3A_13] : memref<32x125x80xi32, #tpu.memory_space<hbm>> -> memref<1x125x80xi32, #tpu.memory_space<hbm>>
    %dma_start3A_15 = tpu.memref_squeeze %dma_start3A_14 : memref<1x125x80xi32, #tpu.memory_space<hbm>> -> memref<125x80xi32, #tpu.memory_space<hbm>>
    tpu.enqueue_dma source(%dma_start3A_15 : memref<125x80xi32, #tpu.memory_space<hbm>>) target(%arg8 : memref<125x80xi32, #tpu.memory_space<vmem>>) target_semaphore(%arg16 : memref<!tpu.dma_semaphore, #tpu.memory_space<semaphore_mem>>)
    %lt3A = arith.constant 15 : i32
    %lt3A_16 = arith.cmpi slt, %arg1, %lt3A : i32
    %convert_element_type3A = arith.extui %lt3A_16 : i1 to i32
    %cond3A = arith.constant 0 : i32
    %cond3A_17 = arith.cmpi ne, %convert_element_type3A, %cond3A : i32
    scf.if %cond3A_17 {
      %eq3A_82 = arith.constant 0 : i32
      %eq3A_83 = arith.cmpi eq, %arg0, %eq3A_82 : i32
      %convert_element_type3A_84 = arith.extui %eq3A_83 : i1 to i32
      %cond3A_85 = arith.constant 0 : i32
      %cond3A_86 = arith.cmpi ne, %convert_element_type3A_84, %cond3A_85 : i32
      scf.if %cond3A_86 {
        "tpu.region"() ({
          %run_scoped3A = tpu.sem_alloc : memref<!tpu.dma_semaphore, #tpu.memory_space<semaphore_mem>>
          %dma_start3A_92 = arith.constant 0 : i32
          %dma_start3A_93 = tpu.memref_slice %arg17[%mul3A_2, %dma_start3A_92] : memref<10000x128xf32, #tpu.memory_space<vmem_shared>> -> memref<640x128xf32, #tpu.memory_space<vmem_shared>>
          %dma_start3A_94 = arith.constant 0 : i32
          %dma_start3A_95 = tpu.memref_slice %arg2[%mul3A_2, %dma_start3A_94] : memref<10000x128xf32, #tpu.memory_space<hbm>> -> memref<640x128xf32, #tpu.memory_space<hbm>>
          tpu.enqueue_dma source(%dma_start3A_95 : memref<640x128xf32, #tpu.memory_space<hbm>>) target(%dma_start3A_93 : memref<640x128xf32, #tpu.memory_space<vmem_shared>>) target_semaphore(%run_scoped3A : memref<!tpu.dma_semaphore, #tpu.memory_space<semaphore_mem>>)
          %dma_wait3A_96 = arith.constant 0 : i32
          %dma_wait3A_97 = tpu.memref_slice %arg17[%mul3A_2, %dma_wait3A_96] : memref<10000x128xf32, #tpu.memory_space<vmem_shared>> -> memref<640x128xf32, #tpu.memory_space<vmem_shared>>
          %dma_wait3A_98 = arith.constant 0 : i32
          %dma_wait3A_99 = tpu.memref_slice %arg2[%mul3A_2, %dma_wait3A_98] : memref<10000x128xf32, #tpu.memory_space<hbm>> -> memref<640x128xf32, #tpu.memory_space<hbm>>
          tpu.wait_dma2 semaphore(%run_scoped3A : memref<!tpu.dma_semaphore, #tpu.memory_space<semaphore_mem>>) src(%dma_wait3A_99 : memref<640x128xf32, #tpu.memory_space<hbm>>) dst(%dma_wait3A_97 : memref<640x128xf32, #tpu.memory_space<vmem_shared>>)
          tpu.yield
        }) : () -> ()
      } else {
      }
      %eq3A_87 = arith.constant 1 : i32
      %eq3A_88 = arith.cmpi eq, %arg0, %eq3A_87 : i32
      %convert_element_type3A_89 = arith.extui %eq3A_88 : i1 to i32
      %cond3A_90 = arith.constant 0 : i32
      %cond3A_91 = arith.cmpi ne, %convert_element_type3A_89, %cond3A_90 : i32
      scf.if %cond3A_91 {
        "tpu.region"() ({
          %run_scoped3A = tpu.sem_alloc : memref<!tpu.dma_semaphore, #tpu.memory_space<semaphore_mem>>
          %dma_start3A_92 = arith.constant 0 : i32
          %dma_start3A_93 = tpu.memref_slice %arg17[%mul3A_2, %dma_start3A_92] : memref<10000x128xf32, #tpu.memory_space<vmem_shared>> -> memref<640x128xf32, #tpu.memory_space<vmem_shared>>
          %dma_start3A_94 = arith.constant 0 : i32
          %dma_start3A_95 = tpu.memref_slice %arg5[%mul3A_2, %dma_start3A_94] : memref<10000x128xf32, #tpu.memory_space<hbm>> -> memref<640x128xf32, #tpu.memory_space<hbm>>
          tpu.enqueue_dma source(%dma_start3A_95 : memref<640x128xf32, #tpu.memory_space<hbm>>) target(%dma_start3A_93 : memref<640x128xf32, #tpu.memory_space<vmem_shared>>) target_semaphore(%run_scoped3A : memref<!tpu.dma_semaphore, #tpu.memory_space<semaphore_mem>>)
          %dma_wait3A_96 = arith.constant 0 : i32
          %dma_wait3A_97 = tpu.memref_slice %arg17[%mul3A_2, %dma_wait3A_96] : memref<10000x128xf32, #tpu.memory_space<vmem_shared>> -> memref<640x128xf32, #tpu.memory_space<vmem_shared>>
          %dma_wait3A_98 = arith.constant 0 : i32
          %dma_wait3A_99 = tpu.memref_slice %arg5[%mul3A_2, %dma_wait3A_98] : memref<10000x128xf32, #tpu.memory_space<hbm>> -> memref<640x128xf32, #tpu.memory_space<hbm>>
          tpu.wait_dma2 semaphore(%run_scoped3A : memref<!tpu.dma_semaphore, #tpu.memory_space<semaphore_mem>>) src(%dma_wait3A_99 : memref<640x128xf32, #tpu.memory_space<hbm>>) dst(%dma_wait3A_97 : memref<640x128xf32, #tpu.memory_space<vmem_shared>>)
          tpu.yield
        }) : () -> ()
      } else {
      }
    } else {
    }
    %eq3A = arith.constant 15 : i32
    %eq3A_18 = arith.cmpi eq, %arg1, %eq3A : i32
    %convert_element_type3A_19 = arith.extui %eq3A_18 : i1 to i32
    %cond3A_20 = arith.constant 0 : i32
    %cond3A_21 = arith.cmpi ne, %convert_element_type3A_19, %cond3A_20 : i32
    scf.if %cond3A_21 {
      %eq3A_82 = arith.constant 0 : i32
      %eq3A_83 = arith.cmpi eq, %arg0, %eq3A_82 : i32
      %convert_element_type3A_84 = arith.extui %eq3A_83 : i1 to i32
      %cond3A_85 = arith.constant 0 : i32
      %cond3A_86 = arith.cmpi ne, %convert_element_type3A_84, %cond3A_85 : i32
      scf.if %cond3A_86 {
        "tpu.region"() ({
          %run_scoped3A = tpu.sem_alloc : memref<!tpu.dma_semaphore, #tpu.memory_space<semaphore_mem>>
          %dma_start3A_92 = arith.constant 0 : i32
          %dma_start3A_93 = tpu.memref_slice %arg17[%mul3A_2, %dma_start3A_92] : memref<10000x128xf32, #tpu.memory_space<vmem_shared>> -> memref<400x128xf32, #tpu.memory_space<vmem_shared>>
          %dma_start3A_94 = arith.constant 0 : i32
          %dma_start3A_95 = tpu.memref_slice %arg2[%mul3A_2, %dma_start3A_94] : memref<10000x128xf32, #tpu.memory_space<hbm>> -> memref<400x128xf32, #tpu.memory_space<hbm>>
          tpu.enqueue_dma source(%dma_start3A_95 : memref<400x128xf32, #tpu.memory_space<hbm>>) target(%dma_start3A_93 : memref<400x128xf32, #tpu.memory_space<vmem_shared>>) target_semaphore(%run_scoped3A : memref<!tpu.dma_semaphore, #tpu.memory_space<semaphore_mem>>)
          %dma_wait3A_96 = arith.constant 0 : i32
          %dma_wait3A_97 = tpu.memref_slice %arg17[%mul3A_2, %dma_wait3A_96] : memref<10000x128xf32, #tpu.memory_space<vmem_shared>> -> memref<400x128xf32, #tpu.memory_space<vmem_shared>>
          %dma_wait3A_98 = arith.constant 0 : i32
          %dma_wait3A_99 = tpu.memref_slice %arg2[%mul3A_2, %dma_wait3A_98] : memref<10000x128xf32, #tpu.memory_space<hbm>> -> memref<400x128xf32, #tpu.memory_space<hbm>>
          tpu.wait_dma2 semaphore(%run_scoped3A : memref<!tpu.dma_semaphore, #tpu.memory_space<semaphore_mem>>) src(%dma_wait3A_99 : memref<400x128xf32, #tpu.memory_space<hbm>>) dst(%dma_wait3A_97 : memref<400x128xf32, #tpu.memory_space<vmem_shared>>)
          tpu.yield
        }) : () -> ()
      } else {
      }
      %eq3A_87 = arith.constant 1 : i32
      %eq3A_88 = arith.cmpi eq, %arg0, %eq3A_87 : i32
      %convert_element_type3A_89 = arith.extui %eq3A_88 : i1 to i32
      %cond3A_90 = arith.constant 0 : i32
      %cond3A_91 = arith.cmpi ne, %convert_element_type3A_89, %cond3A_90 : i32
      scf.if %cond3A_91 {
        "tpu.region"() ({
          %run_scoped3A = tpu.sem_alloc : memref<!tpu.dma_semaphore, #tpu.memory_space<semaphore_mem>>
          %dma_start3A_92 = arith.constant 0 : i32
          %dma_start3A_93 = tpu.memref_slice %arg17[%mul3A_2, %dma_start3A_92] : memref<10000x128xf32, #tpu.memory_space<vmem_shared>> -> memref<400x128xf32, #tpu.memory_space<vmem_shared>>
          %dma_start3A_94 = arith.constant 0 : i32
          %dma_start3A_95 = tpu.memref_slice %arg5[%mul3A_2, %dma_start3A_94] : memref<10000x128xf32, #tpu.memory_space<hbm>> -> memref<400x128xf32, #tpu.memory_space<hbm>>
          tpu.enqueue_dma source(%dma_start3A_95 : memref<400x128xf32, #tpu.memory_space<hbm>>) target(%dma_start3A_93 : memref<400x128xf32, #tpu.memory_space<vmem_shared>>) target_semaphore(%run_scoped3A : memref<!tpu.dma_semaphore, #tpu.memory_space<semaphore_mem>>)
          %dma_wait3A_96 = arith.constant 0 : i32
          %dma_wait3A_97 = tpu.memref_slice %arg17[%mul3A_2, %dma_wait3A_96] : memref<10000x128xf32, #tpu.memory_space<vmem_shared>> -> memref<400x128xf32, #tpu.memory_space<vmem_shared>>
          %dma_wait3A_98 = arith.constant 0 : i32
          %dma_wait3A_99 = tpu.memref_slice %arg5[%mul3A_2, %dma_wait3A_98] : memref<10000x128xf32, #tpu.memory_space<hbm>> -> memref<400x128xf32, #tpu.memory_space<hbm>>
          tpu.wait_dma2 semaphore(%run_scoped3A : memref<!tpu.dma_semaphore, #tpu.memory_space<semaphore_mem>>) src(%dma_wait3A_99 : memref<400x128xf32, #tpu.memory_space<hbm>>) dst(%dma_wait3A_97 : memref<400x128xf32, #tpu.memory_space<vmem_shared>>)
          tpu.yield
        }) : () -> ()
      } else {
      }
    } else {
    }
    %dma_wait3A = arith.constant 0 : i32
    %dma_wait3A_22 = tpu.memref_slice %arg3[%add3A, %dma_wait3A] : memref<32x10000xi32, #tpu.memory_space<hbm>> -> memref<1x10000xi32, #tpu.memory_space<hbm>>
    %dma_wait3A_23 = tpu.memref_squeeze %dma_wait3A_22 : memref<1x10000xi32, #tpu.memory_space<hbm>> -> memref<10000xi32, #tpu.memory_space<hbm>>
    %dma_wait3A_24 = arith.constant 0 : i32
    %dma_wait3A_25 = tpu.memref_slice %arg3[%add3A, %dma_wait3A_24] : memref<32x10000xi32, #tpu.memory_space<hbm>> -> memref<1x10000xi32, #tpu.memory_space<hbm>>
    %dma_wait3A_26 = tpu.memref_squeeze %dma_wait3A_25 : memref<1x10000xi32, #tpu.memory_space<hbm>> -> memref<10000xi32, #tpu.memory_space<hbm>>
    tpu.wait_dma2 semaphore(%arg15 : memref<!tpu.dma_semaphore, #tpu.memory_space<semaphore_mem>>) src(%dma_wait3A_26 : memref<10000xi32, #tpu.memory_space<hbm>>) dst(%arg7 : memref<10000xi32, #tpu.memory_space<vmem>>)
    %dma_start3A_27 = arith.constant 0 : i32
    %dma_start3A_28 = tpu.memref_slice %arg7[%dma_start3A_27] : memref<10000xi32, #tpu.memory_space<vmem>> -> memref<80xi32, #tpu.memory_space<vmem>>
    %dma_start3A_29 = arith.constant 0 : i32
    %dma_start3A_30 = arith.constant 0 : i32
    %dma_start3A_31 = tpu.memref_slice %arg2[%dma_start3A_29, %dma_start3A_30] : memref<10000x128xf32, #tpu.memory_space<hbm>> -> memref<10000x128xf32, #tpu.memory_space<hbm>>
    tpu.enqueue_indirect_dma source(%dma_start3A_31 : memref<10000x128xf32, #tpu.memory_space<hbm>>) target(%arg9 : memref<80x128xf32, #tpu.memory_space<vmem>>) offsets(%dma_start3A_28 : memref<80xi32, #tpu.memory_space<vmem>>) semaphore(%arg11 : memref<!tpu.dma_semaphore, #tpu.memory_space<semaphore_mem>>)
    %dma_wait3A_32 = arith.constant 0 : i32
    %dma_wait3A_33 = arith.constant 0 : i32
    %dma_wait3A_34 = tpu.memref_slice %arg4[%add3A, %dma_wait3A_32, %dma_wait3A_33] : memref<32x125x80xi32, #tpu.memory_space<hbm>> -> memref<1x125x80xi32, #tpu.memory_space<hbm>>
    %dma_wait3A_35 = tpu.memref_squeeze %dma_wait3A_34 : memref<1x125x80xi32, #tpu.memory_space<hbm>> -> memref<125x80xi32, #tpu.memory_space<hbm>>
    %dma_wait3A_36 = arith.constant 0 : i32
    %dma_wait3A_37 = arith.constant 0 : i32
    %dma_wait3A_38 = tpu.memref_slice %arg4[%add3A, %dma_wait3A_36, %dma_wait3A_37] : memref<32x125x80xi32, #tpu.memory_space<hbm>> -> memref<1x125x80xi32, #tpu.memory_space<hbm>>
    %dma_wait3A_39 = tpu.memref_squeeze %dma_wait3A_38 : memref<1x125x80xi32, #tpu.memory_space<hbm>> -> memref<125x80xi32, #tpu.memory_space<hbm>>
    tpu.wait_dma2 semaphore(%arg16 : memref<!tpu.dma_semaphore, #tpu.memory_space<semaphore_mem>>) src(%dma_wait3A_39 : memref<125x80xi32, #tpu.memory_space<hbm>>) dst(%arg8 : memref<125x80xi32, #tpu.memory_space<vmem>>)
    %barrier3A = arith.constant 0 : index
    tpu.barrier barrier_id(%barrier3A)
    %scan3A = arith.constant 0 : i32
    %scan3A_40 = arith.constant 0 : i32
    %scan3A_41 = arith.constant 62 : i32
    %scan3A_42 = arith.addi %scan3A_40, %scan3A_41 : i32
    %scan3A_43 = arith.constant 1 : i32
    scf.for %scan3A_82 = %scan3A_40 to %scan3A_42 step %scan3A_43  : i32 {
      %mul3A_83 = arith.constant 2 : i32
      %mul3A_84 = arith.muli %mul3A_83, %scan3A_82 : i32
      %ge3A = arith.constant 1 : i32
      %ge3A_85 = arith.cmpi sge, %scan3A_82, %ge3A : i32
      %convert_element_type3A_86 = arith.extui %ge3A_85 : i1 to i32
      %cond3A_87 = arith.constant 0 : i32
      %cond3A_88 = arith.cmpi ne, %convert_element_type3A_86, %cond3A_87 : i32
      scf.if %cond3A_88 {
        %dma_wait3A_132 = arith.constant 0 : i32
        %dma_wait3A_133 = arith.constant 0 : i32
        %dma_wait3A_134 = tpu.memref_slice %arg8[%dma_wait3A_132, %dma_wait3A_133] : memref<125x80xi32, #tpu.memory_space<vmem>> -> memref<1x80xi32, #tpu.memory_space<vmem>>
        %dma_wait3A_135 = tpu.memref_squeeze %dma_wait3A_134 : memref<1x80xi32, #tpu.memory_space<vmem>> -> memref<80xi32, #tpu.memory_space<vmem>>
        %dma_wait3A_136 = arith.constant 0 : i32
        %dma_wait3A_137 = arith.constant 0 : i32
        %dma_wait3A_138 = tpu.memref_slice %arg17[%dma_wait3A_136, %dma_wait3A_137] : memref<10000x128xf32, #tpu.memory_space<vmem_shared>> -> memref<10000x128xf32, #tpu.memory_space<vmem_shared>>
        tpu.wait_indirect_dma semaphore(%arg14 : memref<!tpu.dma_semaphore, #tpu.memory_space<semaphore_mem>>) src(%arg10 : memref<80x128xf32, #tpu.memory_space<vmem>>) dst(%dma_wait3A_138 : memref<10000x128xf32, #tpu.memory_space<vmem_shared>>)
      } else {
      }
      %add3A_89 = arith.constant 1 : i32
      %add3A_90 = arith.addi %mul3A_84, %add3A_89 : i32
      %mul3A_91 = arith.constant 80 : i32
      %mul3A_92 = arith.muli %add3A_90, %mul3A_91 : i32
      %dma_start3A_93 = tpu.memref_slice %arg7[%mul3A_92] : memref<10000xi32, #tpu.memory_space<vmem>> -> memref<80xi32, #tpu.memory_space<vmem>>
      %dma_start3A_94 = arith.constant 0 : i32
      %dma_start3A_95 = arith.constant 0 : i32
      %dma_start3A_96 = tpu.memref_slice %arg2[%dma_start3A_94, %dma_start3A_95] : memref<10000x128xf32, #tpu.memory_space<hbm>> -> memref<10000x128xf32, #tpu.memory_space<hbm>>
      tpu.enqueue_indirect_dma source(%dma_start3A_96 : memref<10000x128xf32, #tpu.memory_space<hbm>>) target(%arg10 : memref<80x128xf32, #tpu.memory_space<vmem>>) offsets(%dma_start3A_93 : memref<80xi32, #tpu.memory_space<vmem>>) semaphore(%arg12 : memref<!tpu.dma_semaphore, #tpu.memory_space<semaphore_mem>>)
      %mul3A_97 = arith.constant 80 : i32
      %mul3A_98 = arith.muli %mul3A_84, %mul3A_97 : i32
      %dma_wait3A_99 = tpu.memref_slice %arg7[%mul3A_98] : memref<10000xi32, #tpu.memory_space<vmem>> -> memref<80xi32, #tpu.memory_space<vmem>>
      %dma_wait3A_100 = arith.constant 0 : i32
      %dma_wait3A_101 = arith.constant 0 : i32
      %dma_wait3A_102 = tpu.memref_slice %arg2[%dma_wait3A_100, %dma_wait3A_101] : memref<10000x128xf32, #tpu.memory_space<hbm>> -> memref<10000x128xf32, #tpu.memory_space<hbm>>
      tpu.wait_indirect_dma semaphore(%arg11 : memref<!tpu.dma_semaphore, #tpu.memory_space<semaphore_mem>>) src(%dma_wait3A_102 : memref<10000x128xf32, #tpu.memory_space<hbm>>) dst(%arg9 : memref<80x128xf32, #tpu.memory_space<vmem>>)
      %dma_start3A_103 = arith.constant 0 : i32
      %dma_start3A_104 = tpu.memref_slice %arg8[%mul3A_84, %dma_start3A_103] : memref<125x80xi32, #tpu.memory_space<vmem>> -> memref<1x80xi32, #tpu.memory_space<vmem>>
      %dma_start3A_105 = tpu.memref_squeeze %dma_start3A_104 : memref<1x80xi32, #tpu.memory_space<vmem>> -> memref<80xi32, #tpu.memory_space<vmem>>
      %dma_start3A_106 = arith.constant 0 : i32
      %dma_start3A_107 = arith.constant 0 : i32
      %dma_start3A_108 = tpu.memref_slice %arg17[%dma_start3A_106, %dma_start3A_107] : memref<10000x128xf32, #tpu.memory_space<vmem_shared>> -> memref<10000x128xf32, #tpu.memory_space<vmem_shared>>
      tpu.enqueue_indirect_dma source(%arg9 : memref<80x128xf32, #tpu.memory_space<vmem>>) target(%dma_start3A_108 : memref<10000x128xf32, #tpu.memory_space<vmem_shared>>) offsets(%dma_start3A_105 : memref<80xi32, #tpu.memory_space<vmem>>) semaphore(%arg13 : memref<!tpu.dma_semaphore, #tpu.memory_space<semaphore_mem>>) {add = true}
      %add3A_109 = arith.constant 2 : i32
      %add3A_110 = arith.addi %mul3A_84, %add3A_109 : i32
      %lt3A_111 = arith.constant 125 : i32
      %lt3A_112 = arith.cmpi slt, %add3A_110, %lt3A_111 : i32
      %convert_element_type3A_113 = arith.extui %lt3A_112 : i1 to i32
      %cond3A_114 = arith.constant 0 : i32
      %cond3A_115 = arith.cmpi ne, %convert_element_type3A_113, %cond3A_114 : i32
      scf.if %cond3A_115 {
        %dma_wait3A_132 = arith.constant 0 : i32
        %dma_wait3A_133 = arith.constant 0 : i32
        %dma_wait3A_134 = tpu.memref_slice %arg8[%dma_wait3A_132, %dma_wait3A_133] : memref<125x80xi32, #tpu.memory_space<vmem>> -> memref<1x80xi32, #tpu.memory_space<vmem>>
        %dma_wait3A_135 = tpu.memref_squeeze %dma_wait3A_134 : memref<1x80xi32, #tpu.memory_space<vmem>> -> memref<80xi32, #tpu.memory_space<vmem>>
        %dma_wait3A_136 = arith.constant 0 : i32
        %dma_wait3A_137 = arith.constant 0 : i32
        %dma_wait3A_138 = tpu.memref_slice %arg17[%dma_wait3A_136, %dma_wait3A_137] : memref<10000x128xf32, #tpu.memory_space<vmem_shared>> -> memref<10000x128xf32, #tpu.memory_space<vmem_shared>>
        tpu.wait_indirect_dma semaphore(%arg13 : memref<!tpu.dma_semaphore, #tpu.memory_space<semaphore_mem>>) src(%arg9 : memref<80x128xf32, #tpu.memory_space<vmem>>) dst(%dma_wait3A_138 : memref<10000x128xf32, #tpu.memory_space<vmem_shared>>)
        %add3A_139 = arith.constant 2 : i32
        %add3A_140 = arith.addi %mul3A_84, %add3A_139 : i32
        %mul3A_141 = arith.constant 80 : i32
        %mul3A_142 = arith.muli %add3A_140, %mul3A_141 : i32
        %dma_start3A_143 = tpu.memref_slice %arg7[%mul3A_142] : memref<10000xi32, #tpu.memory_space<vmem>> -> memref<80xi32, #tpu.memory_space<vmem>>
        %dma_start3A_144 = arith.constant 0 : i32
        %dma_start3A_145 = arith.constant 0 : i32
        %dma_start3A_146 = tpu.memref_slice %arg2[%dma_start3A_144, %dma_start3A_145] : memref<10000x128xf32, #tpu.memory_space<hbm>> -> memref<10000x128xf32, #tpu.memory_space<hbm>>
        tpu.enqueue_indirect_dma source(%dma_start3A_146 : memref<10000x128xf32, #tpu.memory_space<hbm>>) target(%arg9 : memref<80x128xf32, #tpu.memory_space<vmem>>) offsets(%dma_start3A_143 : memref<80xi32, #tpu.memory_space<vmem>>) semaphore(%arg11 : memref<!tpu.dma_semaphore, #tpu.memory_space<semaphore_mem>>)
      } else {
      }
      %add3A_116 = arith.constant 1 : i32
      %add3A_117 = arith.addi %mul3A_84, %add3A_116 : i32
      %mul3A_118 = arith.constant 80 : i32
      %mul3A_119 = arith.muli %add3A_117, %mul3A_118 : i32
      %dma_wait3A_120 = tpu.memref_slice %arg7[%mul3A_119] : memref<10000xi32, #tpu.memory_space<vmem>> -> memref<80xi32, #tpu.memory_space<vmem>>
      %dma_wait3A_121 = arith.constant 0 : i32
      %dma_wait3A_122 = arith.constant 0 : i32
      %dma_wait3A_123 = tpu.memref_slice %arg2[%dma_wait3A_121, %dma_wait3A_122] : memref<10000x128xf32, #tpu.memory_space<hbm>> -> memref<10000x128xf32, #tpu.memory_space<hbm>>
      tpu.wait_indirect_dma semaphore(%arg12 : memref<!tpu.dma_semaphore, #tpu.memory_space<semaphore_mem>>) src(%dma_wait3A_123 : memref<10000x128xf32, #tpu.memory_space<hbm>>) dst(%arg10 : memref<80x128xf32, #tpu.memory_space<vmem>>)
      %add3A_124 = arith.constant 1 : i32
      %add3A_125 = arith.addi %mul3A_84, %add3A_124 : i32
      %dma_start3A_126 = arith.constant 0 : i32
      %dma_start3A_127 = tpu.memref_slice %arg8[%add3A_125, %dma_start3A_126] : memref<125x80xi32, #tpu.memory_space<vmem>> -> memref<1x80xi32, #tpu.memory_space<vmem>>
      %dma_start3A_128 = tpu.memref_squeeze %dma_start3A_127 : memref<1x80xi32, #tpu.memory_space<vmem>> -> memref<80xi32, #tpu.memory_space<vmem>>
      %dma_start3A_129 = arith.constant 0 : i32
      %dma_start3A_130 = arith.constant 0 : i32
      %dma_start3A_131 = tpu.memref_slice %arg17[%dma_start3A_129, %dma_start3A_130] : memref<10000x128xf32, #tpu.memory_space<vmem_shared>> -> memref<10000x128xf32, #tpu.memory_space<vmem_shared>>
      tpu.enqueue_indirect_dma source(%arg10 : memref<80x128xf32, #tpu.memory_space<vmem>>) target(%dma_start3A_131 : memref<10000x128xf32, #tpu.memory_space<vmem_shared>>) offsets(%dma_start3A_128 : memref<80xi32, #tpu.memory_space<vmem>>) semaphore(%arg14 : memref<!tpu.dma_semaphore, #tpu.memory_space<semaphore_mem>>) {add = true}
    }
    %scan3A_44 = arith.constant 62 : i32
    %dma_wait3A_45 = arith.constant 9920 : i32
    %dma_wait3A_46 = tpu.memref_slice %arg7[%dma_wait3A_45] : memref<10000xi32, #tpu.memory_space<vmem>> -> memref<80xi32, #tpu.memory_space<vmem>>
    %dma_wait3A_47 = arith.constant 0 : i32
    %dma_wait3A_48 = arith.constant 0 : i32
    %dma_wait3A_49 = tpu.memref_slice %arg2[%dma_wait3A_47, %dma_wait3A_48] : memref<10000x128xf32, #tpu.memory_space<hbm>> -> memref<10000x128xf32, #tpu.memory_space<hbm>>
    tpu.wait_indirect_dma semaphore(%arg11 : memref<!tpu.dma_semaphore, #tpu.memory_space<semaphore_mem>>) src(%dma_wait3A_49 : memref<10000x128xf32, #tpu.memory_space<hbm>>) dst(%arg9 : memref<80x128xf32, #tpu.memory_space<vmem>>)
    %dma_start3A_50 = arith.constant 124 : i32
    %dma_start3A_51 = arith.constant 0 : i32
    %dma_start3A_52 = tpu.memref_slice %arg8[%dma_start3A_50, %dma_start3A_51] : memref<125x80xi32, #tpu.memory_space<vmem>> -> memref<1x80xi32, #tpu.memory_space<vmem>>
    %dma_start3A_53 = tpu.memref_squeeze %dma_start3A_52 : memref<1x80xi32, #tpu.memory_space<vmem>> -> memref<80xi32, #tpu.memory_space<vmem>>
    %dma_start3A_54 = arith.constant 0 : i32
    %dma_start3A_55 = arith.constant 0 : i32
    %dma_start3A_56 = tpu.memref_slice %arg17[%dma_start3A_54, %dma_start3A_55] : memref<10000x128xf32, #tpu.memory_space<vmem_shared>> -> memref<10000x128xf32, #tpu.memory_space<vmem_shared>>
    tpu.enqueue_indirect_dma source(%arg9 : memref<80x128xf32, #tpu.memory_space<vmem>>) target(%dma_start3A_56 : memref<10000x128xf32, #tpu.memory_space<vmem_shared>>) offsets(%dma_start3A_53 : memref<80xi32, #tpu.memory_space<vmem>>) semaphore(%arg13 : memref<!tpu.dma_semaphore, #tpu.memory_space<semaphore_mem>>) {add = true}
    %dma_wait3A_57 = arith.constant 0 : i32
    %dma_wait3A_58 = arith.constant 0 : i32
    %dma_wait3A_59 = tpu.memref_slice %arg8[%dma_wait3A_57, %dma_wait3A_58] : memref<125x80xi32, #tpu.memory_space<vmem>> -> memref<1x80xi32, #tpu.memory_space<vmem>>
    %dma_wait3A_60 = tpu.memref_squeeze %dma_wait3A_59 : memref<1x80xi32, #tpu.memory_space<vmem>> -> memref<80xi32, #tpu.memory_space<vmem>>
    %dma_wait3A_61 = arith.constant 0 : i32
    %dma_wait3A_62 = arith.constant 0 : i32
    %dma_wait3A_63 = tpu.memref_slice %arg17[%dma_wait3A_61, %dma_wait3A_62] : memref<10000x128xf32, #tpu.memory_space<vmem_shared>> -> memref<10000x128xf32, #tpu.memory_space<vmem_shared>>
    tpu.wait_indirect_dma semaphore(%arg13 : memref<!tpu.dma_semaphore, #tpu.memory_space<semaphore_mem>>) src(%arg9 : memref<80x128xf32, #tpu.memory_space<vmem>>) dst(%dma_wait3A_63 : memref<10000x128xf32, #tpu.memory_space<vmem_shared>>)
    %dma_wait3A_64 = arith.constant 0 : i32
    %dma_wait3A_65 = arith.constant 0 : i32
    %dma_wait3A_66 = tpu.memref_slice %arg8[%dma_wait3A_64, %dma_wait3A_65] : memref<125x80xi32, #tpu.memory_space<vmem>> -> memref<1x80xi32, #tpu.memory_space<vmem>>
    %dma_wait3A_67 = tpu.memref_squeeze %dma_wait3A_66 : memref<1x80xi32, #tpu.memory_space<vmem>> -> memref<80xi32, #tpu.memory_space<vmem>>
    %dma_wait3A_68 = arith.constant 0 : i32
    %dma_wait3A_69 = arith.constant 0 : i32
    %dma_wait3A_70 = tpu.memref_slice %arg17[%dma_wait3A_68, %dma_wait3A_69] : memref<10000x128xf32, #tpu.memory_space<vmem_shared>> -> memref<10000x128xf32, #tpu.memory_space<vmem_shared>>
    tpu.wait_indirect_dma semaphore(%arg14 : memref<!tpu.dma_semaphore, #tpu.memory_space<semaphore_mem>>) src(%arg10 : memref<80x128xf32, #tpu.memory_space<vmem>>) dst(%dma_wait3A_70 : memref<10000x128xf32, #tpu.memory_space<vmem_shared>>)
    %barrier3A_71 = arith.constant 0 : index
    tpu.barrier barrier_id(%barrier3A_71)
    %lt3A_72 = arith.constant 15 : i32
    %lt3A_73 = arith.cmpi slt, %arg1, %lt3A_72 : i32
    %convert_element_type3A_74 = arith.extui %lt3A_73 : i1 to i32
    %cond3A_75 = arith.constant 0 : i32
    %cond3A_76 = arith.cmpi ne, %convert_element_type3A_74, %cond3A_75 : i32
    scf.if %cond3A_76 {
      "tpu.region"() ({
        %run_scoped3A = tpu.sem_alloc : memref<!tpu.dma_semaphore, #tpu.memory_space<semaphore_mem>>
        %dma_start3A_82 = arith.constant 0 : i32
        %dma_start3A_83 = tpu.memref_slice %arg6[%arg0, %mul3A_2, %dma_start3A_82] : memref<2x10000x128xf32, #tpu.memory_space<hbm>> -> memref<1x640x128xf32, #tpu.memory_space<hbm>>
        %dma_start3A_84 = tpu.memref_squeeze %dma_start3A_83 : memref<1x640x128xf32, #tpu.memory_space<hbm>> -> memref<640x128xf32, #tpu.memory_space<hbm>>
        %dma_start3A_85 = arith.constant 0 : i32
        %dma_start3A_86 = tpu.memref_slice %arg17[%mul3A_2, %dma_start3A_85] : memref<10000x128xf32, #tpu.memory_space<vmem_shared>> -> memref<640x128xf32, #tpu.memory_space<vmem_shared>>
        tpu.enqueue_dma source(%dma_start3A_86 : memref<640x128xf32, #tpu.memory_space<vmem_shared>>) target(%dma_start3A_84 : memref<640x128xf32, #tpu.memory_space<hbm>>) target_semaphore(%run_scoped3A : memref<!tpu.dma_semaphore, #tpu.memory_space<semaphore_mem>>)
        %dma_wait3A_87 = arith.constant 0 : i32
        %dma_wait3A_88 = tpu.memref_slice %arg6[%arg0, %mul3A_2, %dma_wait3A_87] : memref<2x10000x128xf32, #tpu.memory_space<hbm>> -> memref<1x640x128xf32, #tpu.memory_space<hbm>>
        %dma_wait3A_89 = tpu.memref_squeeze %dma_wait3A_88 : memref<1x640x128xf32, #tpu.memory_space<hbm>> -> memref<640x128xf32, #tpu.memory_space<hbm>>
        %dma_wait3A_90 = arith.constant 0 : i32
        %dma_wait3A_91 = tpu.memref_slice %arg17[%mul3A_2, %dma_wait3A_90] : memref<10000x128xf32, #tpu.memory_space<vmem_shared>> -> memref<640x128xf32, #tpu.memory_space<vmem_shared>>
        tpu.wait_dma2 semaphore(%run_scoped3A : memref<!tpu.dma_semaphore, #tpu.memory_space<semaphore_mem>>) src(%dma_wait3A_91 : memref<640x128xf32, #tpu.memory_space<vmem_shared>>) dst(%dma_wait3A_89 : memref<640x128xf32, #tpu.memory_space<hbm>>)
        tpu.yield
      }) : () -> ()
    } else {
    }
    %eq3A_77 = arith.constant 15 : i32
    %eq3A_78 = arith.cmpi eq, %arg1, %eq3A_77 : i32
    %convert_element_type3A_79 = arith.extui %eq3A_78 : i1 to i32
    %cond3A_80 = arith.constant 0 : i32
    %cond3A_81 = arith.cmpi ne, %convert_element_type3A_79, %cond3A_80 : i32
    scf.if %cond3A_81 {
      "tpu.region"() ({
        %run_scoped3A = tpu.sem_alloc : memref<!tpu.dma_semaphore, #tpu.memory_space<semaphore_mem>>
        %dma_start3A_82 = arith.constant 0 : i32
        %dma_start3A_83 = tpu.memref_slice %arg6[%arg0, %mul3A_2, %dma_start3A_82] : memref<2x10000x128xf32, #tpu.memory_space<hbm>> -> memref<1x400x128xf32, #tpu.memory_space<hbm>>
        %dma_start3A_84 = tpu.memref_squeeze %dma_start3A_83 : memref<1x400x128xf32, #tpu.memory_space<hbm>> -> memref<400x128xf32, #tpu.memory_space<hbm>>
        %dma_start3A_85 = arith.constant 0 : i32
        %dma_start3A_86 = tpu.memref_slice %arg17[%mul3A_2, %dma_start3A_85] : memref<10000x128xf32, #tpu.memory_space<vmem_shared>> -> memref<400x128xf32, #tpu.memory_space<vmem_shared>>
        tpu.enqueue_dma source(%dma_start3A_86 : memref<400x128xf32, #tpu.memory_space<vmem_shared>>) target(%dma_start3A_84 : memref<400x128xf32, #tpu.memory_space<hbm>>) target_semaphore(%run_scoped3A : memref<!tpu.dma_semaphore, #tpu.memory_space<semaphore_mem>>)
        %dma_wait3A_87 = arith.constant 0 : i32
        %dma_wait3A_88 = tpu.memref_slice %arg6[%arg0, %mul3A_2, %dma_wait3A_87] : memref<2x10000x128xf32, #tpu.memory_space<hbm>> -> memref<1x400x128xf32, #tpu.memory_space<hbm>>
        %dma_wait3A_89 = tpu.memref_squeeze %dma_wait3A_88 : memref<1x400x128xf32, #tpu.memory_space<hbm>> -> memref<400x128xf32, #tpu.memory_space<hbm>>
        %dma_wait3A_90 = arith.constant 0 : i32
        %dma_wait3A_91 = tpu.memref_slice %arg17[%mul3A_2, %dma_wait3A_90] : memref<10000x128xf32, #tpu.memory_space<vmem_shared>> -> memref<400x128xf32, #tpu.memory_space<vmem_shared>>
        tpu.wait_dma2 semaphore(%run_scoped3A : memref<!tpu.dma_semaphore, #tpu.memory_space<semaphore_mem>>) src(%dma_wait3A_91 : memref<400x128xf32, #tpu.memory_space<vmem_shared>>) dst(%dma_wait3A_89 : memref<400x128xf32, #tpu.memory_space<hbm>>)
        tpu.yield
      }) : () -> ()
    } else {
    }
    return
  }
}

module attributes {stable_mosaic.version = 14 : i64} {
  func.func @_colsum_body(%arg0: i32, %arg1: memref<1x1000x128xf32, #tpu.memory_space<vmem>>, %arg2: memref<1x128xf32, #tpu.memory_space<vmem>>, %arg3: memref<1x128xf32, #tpu.memory_space<vmem>>, %arg4: memref<1x128xf32, #tpu.memory_space<vmem>>) attributes {dimension_semantics = [#tpu.dimension_semantics<arbitrary>], iteration_bounds = array<i64: 20>, scalar_prefetch = 0 : i64, scratch_operands = 1 : i64, tpu.core_type = #tpu.core_type<tc>, window_params = [{transform_indices = @transform_0, window_bounds = array<i64: 1, 1000, 128>}, {pipeline_mode = #tpu.pipeline_mode<synchronous>, transform_indices = @transform_1, window_bounds = array<i64: 1, 128>}, {pipeline_mode = #tpu.pipeline_mode<synchronous>, transform_indices = @transform_2, window_bounds = array<i64: 1, 128>}]} {
    %eq3A = arith.constant 0 : i32
    %eq3A_0 = arith.cmpi eq, %arg0, %eq3A : i32
    %convert_element_type3A = arith.extui %eq3A_0 : i1 to i32
    %cond3A = arith.constant 0 : i32
    %cond3A_1 = arith.cmpi ne, %convert_element_type3A, %cond3A : i32
    scf.if %cond3A_1 {
      %broadcast_in_dim3A_16 = arith.constant 0.000000e+00 : f32
      %broadcast_in_dim3A_17 = vector.broadcast %broadcast_in_dim3A_16 : f32 to vector<1x128xf32>
      %swap3A_18 = arith.constant 0 : index
      %swap3A_19 = arith.constant 0 : index
      %swap3A_20 = vector.load %arg4[%swap3A_18, %swap3A_19] : memref<1x128xf32, #tpu.memory_space<vmem>>, vector<1x128xf32>
      tpu.vector_store %arg4[%swap3A_18, %swap3A_19], %broadcast_in_dim3A_17 {strides = array<i32>} : memref<1x128xf32, #tpu.memory_space<vmem>>, vector<1x128xf32>,
    } else {
    }
    %get3A = arith.constant 0 : index
    %get3A_2 = arith.constant 0 : index
    %get3A_3 = arith.constant 0 : index
    %get3A_4 = vector.load %arg1[%get3A, %get3A_2, %get3A_3] : memref<1x1000x128xf32, #tpu.memory_space<vmem>>, vector<1x1000x128xf32>
    %squeeze3A = vector.shape_cast %get3A_4 : vector<1x1000x128xf32> to vector<1000x128xf32>
    %get3A_5 = arith.constant 0 : index
    %get3A_6 = arith.constant 0 : index
    %get3A_7 = vector.load %arg4[%get3A_5, %get3A_6] : memref<1x128xf32, #tpu.memory_space<vmem>>, vector<1x128xf32>
    %reduce_sum3A = arith.constant dense<0.000000e+00> : vector<128xf32>
    %reduce_sum3A_8 = vector.multi_reduction <add>, %squeeze3A, %reduce_sum3A [0] : vector<1000x128xf32> to vector<128xf32>
    %broadcast_in_dim3A = vector.shape_cast %reduce_sum3A_8 : vector<128xf32> to vector<1x128xf32>
    %add3A = arith.addf %get3A_7, %broadcast_in_dim3A : vector<1x128xf32>
    %swap3A = arith.constant 0 : index
    %swap3A_9 = arith.constant 0 : index
    %swap3A_10 = vector.load %arg4[%swap3A, %swap3A_9] : memref<1x128xf32, #tpu.memory_space<vmem>>, vector<1x128xf32>
    tpu.vector_store %arg4[%swap3A, %swap3A_9], %add3A {strides = array<i32>} : memref<1x128xf32, #tpu.memory_space<vmem>>, vector<1x128xf32>,
    %eq3A_11 = arith.constant 19 : i32
    %eq3A_12 = arith.cmpi eq, %arg0, %eq3A_11 : i32
    %convert_element_type3A_13 = arith.extui %eq3A_12 : i1 to i32
    %cond3A_14 = arith.constant 0 : i32
    %cond3A_15 = arith.cmpi ne, %convert_element_type3A_13, %cond3A_14 : i32
    scf.if %cond3A_15 {
      %get3A_16 = arith.constant 0 : index
      %get3A_17 = arith.constant 0 : index
      %get3A_18 = vector.load %arg2[%get3A_16, %get3A_17] : memref<1x128xf32, #tpu.memory_space<vmem>>, vector<1x128xf32>
      %get3A_19 = arith.constant 0 : index
      %get3A_20 = arith.constant 0 : index
      %get3A_21 = vector.load %arg4[%get3A_19, %get3A_20] : memref<1x128xf32, #tpu.memory_space<vmem>>, vector<1x128xf32>
      %mul3A = arith.constant 9.99999974E-5 : f32
      %mul3A_22 = vector.broadcast %mul3A : f32 to vector<1x128xf32>
      %mul3A_23 = arith.mulf %get3A_21, %mul3A_22 : vector<1x128xf32>
      %add3A_24 = arith.addf %get3A_18, %mul3A_23 : vector<1x128xf32>
      %swap3A_25 = arith.constant 0 : index
      %swap3A_26 = arith.constant 0 : index
      %swap3A_27 = vector.load %arg3[%swap3A_25, %swap3A_26] : memref<1x128xf32, #tpu.memory_space<vmem>>, vector<1x128xf32>
      tpu.vector_store %arg3[%swap3A_25, %swap3A_26], %add3A_24 {strides = array<i32>} : memref<1x128xf32, #tpu.memory_space<vmem>>, vector<1x128xf32>,
    } else {
    }
    return
  }
  func.func @transform_0(%arg0: i32) -> (i32, i32, i32) {
    %jit3A = arith.constant 10 : i32
    %div3A = arith.divsi %arg0, %jit3A : i32
    %sign3A = arith.constant 0 : i32
    %sign3A_0 = arith.cmpi sgt, %arg0, %sign3A : i32
    %sign3A_1 = arith.extui %sign3A_0 : i1 to i32
    %sign3A_2 = arith.constant 0 : i32
    %sign3A_3 = arith.cmpi slt, %arg0, %sign3A_2 : i32
    %sign3A_4 = arith.extui %sign3A_3 : i1 to i32
    %sign3A_5 = arith.subi %sign3A_1, %sign3A_4 : i32
    %sign3A_6 = arith.constant 0 : i32
    %sign3A_7 = arith.cmpi sgt, %jit3A, %sign3A_6 : i32
    %sign3A_8 = arith.extui %sign3A_7 : i1 to i32
    %sign3A_9 = arith.constant 0 : i32
    %sign3A_10 = arith.cmpi slt, %jit3A, %sign3A_9 : i32
    %sign3A_11 = arith.extui %sign3A_10 : i1 to i32
    %sign3A_12 = arith.subi %sign3A_8, %sign3A_11 : i32
    %ne3A = arith.cmpi ne, %sign3A_5, %sign3A_12 : i32
    %rem3A = arith.remsi %arg0, %jit3A : i32
    %ne3A_13 = arith.constant 0 : i32
    %ne3A_14 = arith.cmpi ne, %rem3A, %ne3A_13 : i32
    %and3A = arith.andi %ne3A, %ne3A_14 : i1
    %sub3A = arith.constant 1 : i32
    %sub3A_15 = arith.subi %div3A, %sub3A : i32
    %select_n3A = arith.select %and3A, %sub3A_15, %div3A : i32
    %jit3A_16 = arith.constant 10 : i32
    %eq3A = arith.constant 0 : i32
    %eq3A_17 = arith.cmpi eq, %jit3A_16, %eq3A : i32
    %jit3A_18 = arith.constant 1 : i32
    %select_n3A_19 = arith.select %eq3A_17, %jit3A_18, %jit3A_16 : i32
    %rem3A_20 = arith.remsi %arg0, %select_n3A_19 : i32
    %ne3A_21 = arith.constant 0 : i32
    %ne3A_22 = arith.cmpi ne, %rem3A_20, %ne3A_21 : i32
    %lt3A = arith.constant 0 : i32
    %lt3A_23 = arith.cmpi slt, %rem3A_20, %lt3A : i32
    %lt3A_24 = arith.constant 0 : i32
    %lt3A_25 = arith.cmpi slt, %select_n3A_19, %lt3A_24 : i32
    %ne3A_26 = arith.xori %lt3A_23, %lt3A_25 : i1
    %and3A_27 = arith.andi %ne3A_26, %ne3A_22 : i1
    %add3A = arith.addi %rem3A_20, %select_n3A_19 : i32
    %select_n3A_28 = arith.select %and3A_27, %add3A, %rem3A_20 : i32
    %c0_i32 = arith.constant 0 : i32
    %c0_i32_29 = arith.constant 0 : i32
    return %select_n3A, %select_n3A_28, %c0_i32 : i32, i32, i32
  }
  func.func @transform_1(%arg0: i32) -> (i32, i32) {
    %c0_i32 = arith.constant 0 : i32
    %c0_i32_0 = arith.constant 0 : i32
    %c0_i32_1 = arith.constant 0 : i32
    return %c0_i32, %c0_i32_0 : i32, i32
  }
  func.func @transform_2(%arg0: i32) -> (i32, i32) {
    %c0_i32 = arith.constant 0 : i32
    %c0_i32_0 = arith.constant 0 : i32
    %c0_i32_1 = arith.constant 0 : i32
    return %c0_i32, %c0_i32_0 : i32, i32
  }
}

module attributes {stable_mosaic.version = 14 : i64} {
  func.func @_matmul_body(%arg0: i32, %arg1: memref<1x1000x128xf32, #tpu.memory_space<vmem>>, %arg2: memref<1x1000x128xf32, #tpu.memory_space<vmem>>, %arg3: memref<1x128xf32, #tpu.memory_space<vmem>>, %arg4: memref<128x128xf32, #tpu.memory_space<vmem>>, %arg5: memref<1000x128xf32, #tpu.memory_space<vmem>>) attributes {dimension_semantics = [#tpu.dimension_semantics<arbitrary>], iteration_bounds = array<i64: 10>, scalar_prefetch = 0 : i64, scratch_operands = 0 : i64, tpu.core_type = #tpu.core_type<tc>, window_params = [{transform_indices = @transform_0, window_bounds = array<i64: 1, 1000, 128>}, {transform_indices = @transform_1, window_bounds = array<i64: 1, 1000, 128>}, {pipeline_mode = #tpu.pipeline_mode<synchronous>, transform_indices = @transform_2, window_bounds = array<i64: 1, 128>}, {pipeline_mode = #tpu.pipeline_mode<synchronous>, transform_indices = @transform_3, window_bounds = array<i64: 128, 128>}, {transform_indices = @transform_4, window_bounds = array<i64: 1000, 128>}]} {
    %get3A = arith.constant 0 : index
    %get3A_0 = arith.constant 0 : index
    %get3A_1 = arith.constant 0 : index
    %get3A_2 = vector.load %arg1[%get3A, %get3A_0, %get3A_1] : memref<1x1000x128xf32, #tpu.memory_space<vmem>>, vector<1x1000x128xf32>
    %squeeze3A = vector.shape_cast %get3A_2 : vector<1x1000x128xf32> to vector<1000x128xf32>
    %get3A_3 = arith.constant 0 : index
    %get3A_4 = arith.constant 0 : index
    %get3A_5 = arith.constant 0 : index
    %get3A_6 = vector.load %arg2[%get3A_3, %get3A_4, %get3A_5] : memref<1x1000x128xf32, #tpu.memory_space<vmem>>, vector<1x1000x128xf32>
    %squeeze3A_7 = vector.shape_cast %get3A_6 : vector<1x1000x128xf32> to vector<1000x128xf32>
    %add3A = arith.addf %squeeze3A, %squeeze3A_7 : vector<1000x128xf32>
    %get3A_8 = arith.constant 0 : index
    %get3A_9 = arith.constant 0 : index
    %get3A_10 = vector.load %arg3[%get3A_8, %get3A_9] : memref<1x128xf32, #tpu.memory_space<vmem>>, vector<1x128xf32>
    %add3A_11 = vector.broadcast %get3A_10 : vector<1x128xf32> to vector<1000x128xf32>
    %add3A_12 = arith.addf %add3A, %add3A_11 : vector<1000x128xf32>
    %get3A_13 = arith.constant 0 : index
    %get3A_14 = arith.constant 0 : index
    %get3A_15 = vector.load %arg4[%get3A_13, %get3A_14] : memref<128x128xf32, #tpu.memory_space<vmem>>, vector<128x128xf32>
    %dot_general3A = arith.constant dense<0.000000e+00> : vector<1000x128xf32>
    %dot_general3A_16 = tpu.matmul %add3A_12, %get3A_15, %dot_general3A {dimension_numbers = #tpu.dot_dimension_numbers<[1], [0], [0], [1], [0, 0, 1, 1], [], []>, transpose_lhs_hint = false} : vector<1000x128xf32>, vector<128x128xf32>, vector<1000x128xf32> -> vector<1000x128xf32>
    %max3A = arith.constant 0.000000e+00 : f32
    %max3A_17 = vector.broadcast %max3A : f32 to vector<1000x128xf32>
    %max3A_18 = arith.maximumf %dot_general3A_16, %max3A_17 : vector<1000x128xf32>
    %swap3A = arith.constant 0 : index
    %swap3A_19 = arith.constant 0 : index
    %swap3A_20 = vector.load %arg5[%swap3A, %swap3A_19] : memref<1000x128xf32, #tpu.memory_space<vmem>>, vector<1000x128xf32>
    tpu.vector_store %arg5[%swap3A, %swap3A_19], %max3A_18 {strides = array<i32>} : memref<1000x128xf32, #tpu.memory_space<vmem>>, vector<1000x128xf32>,
    return
  }
  func.func @transform_0(%arg0: i32) -> (i32, i32, i32) {
    %c0_i32 = arith.constant 0 : i32
    %c0_i32_0 = arith.constant 0 : i32
    %c0_i32_1 = arith.constant 0 : i32
    return %c0_i32, %arg0, %c0_i32_0 : i32, i32, i32
  }
  func.func @transform_1(%arg0: i32) -> (i32, i32, i32) {
    %c1_i32 = arith.constant 1 : i32
    %c0_i32 = arith.constant 0 : i32
    %c0_i32_0 = arith.constant 0 : i32
    return %c1_i32, %arg0, %c0_i32 : i32, i32, i32
  }
  func.func @transform_2(%arg0: i32) -> (i32, i32) {
    %c0_i32 = arith.constant 0 : i32
    %c0_i32_0 = arith.constant 0 : i32
    %c0_i32_1 = arith.constant 0 : i32
    return %c0_i32, %c0_i32_0 : i32, i32
  }
  func.func @transform_3(%arg0: i32) -> (i32, i32) {
    %c0_i32 = arith.constant 0 : i32
    %c0_i32_0 = arith.constant 0 : i32
    %c0_i32_1 = arith.constant 0 : i32
    return %c0_i32, %c0_i32_0 : i32, i32
  }
  func.func @transform_4(%arg0: i32) -> (i32, i32) {
    %c0_i32 = arith.constant 0 : i32
    %c0_i32_0 = arith.constant 0 : i32
    return %arg0, %c0_i32 : i32, i32
  }
}

</mosaic_0001>

<sc_bundles>
// kernel: kernel.5.cloned.1.call-start
scs
__scs_entry_jumppad:
0x0: {  	(pc) =	sbr.rel $0x88, $3  }
0x1: {  	(tag) =	ssettag $0x0;
	lr =	simm.s32 $0x1  }
0x2: {  	[smem:$0x3F9D] =	sst lr;
	_ =	strace $0xD0000000  }
0x3: {  	_ = 	snop  }
0x4: {  	_ = 	snop  }
0x5: {  	_ = 	snop  }
0x6: {  	_ = 	snop  }
0x7: {  	_ = 	snop  }
__scs_overlays_trampoline_lowered:
0x8: {  	[smem:$0x3FAC] =	sst s0  }
0x9: {  	[smem:$0x3FAD] =	sst s1  }
0xa: {  	[smem:$0x3FAE] =	sst s2  }
0xb: {  	[smem:$0x3FAF] =	sst s3  }
0xc: {  	[smem:$0x3FB0] =	sst s4  }
0xd: {  	[smem:$0x3FB1] =	sst s5  }
0xe: {  	[smem:$0x3FB2] =	sst s6  }
0xf: {  	[smem:$0x3FB3] =	sst s7  }
0x10: {  	[smem:$0x3FB4] =	sst s8  }
0x11: {  	[smem:$0x3FB5] =	sst s9;
	s0 =	simm.s32 @!p0 $0x0  }
0x12: {  	s1 =	sld [smem:$0x3F9B];
	s0 =	simm.s32 @p0 $0x1  }
0x13: {  	[smem:$0x3FB6] =	sst s0;
	s0 =	simm.s32 @!p1 $0x0  }
0x14: {  	s2 =	sld [smem:$0x3F9A];
	s0 =	simm.s32 @p1 $0x1  }
0x15: {  	[smem:$0x3FB7] =	sst s0;
	s0 =	simm.s32 @!p2 $0x0  }
0x16: {  	s3 =	sld [smem:$0x3FDB];
	s0 =	simm.s32 @p2 $0x1  }
0x17: {  	s4 =	simm.s32 $0x1BF5;
	[smem:$0x3FB9] =	sst s0  }
0x18: {  	s0 =	sld [smem:$0x3F9C];
	_ =	swait.ge [sflag:s4], $0x0  }
0x19: {  	s7 =	sld [smem:$0x3F9D]  }
0x1a: {  	s8 =	sadd.s32 $0xFFFFE003, lr  }
0x1b: {  	s9 =	sadd.s32 $0xFFFFFEF7, lr;
	s5 =	simm.s32 $0xFFFFFFFF;
	p2 =	slt.u32 s8, $0xFFFFF086  }
0x1c: {  	p1 =	slt.u32 s9, $0xF7A;
	s5 =	simm.s32 @!p2 $0x0  }
0x1d: {  	s5 =	simm.s32 @p1 $0x1;
	p0 =	seq.s32 s7, s2  }
0x1e: {  	s7 =	smul.u32 @!p0 $0xF7A, s2;
	p2 =	seq.s32 @!p0 s5, $0x0  }
0x1f: {  	s9 =	smul.u32 $0xF7A, s1;
	s8 =	simm.s32 @!p0 $0x1BF5;
	p2 =	por !p2, p0  }
0x20: {  	[sflag:s8] =	ssyncset.s32 @!p0 $0xFFFFF086;
	s6 =	sadd.s32 @!p0 s3, s7;
	s7 =	simm.s32 @!p0 $0x108  }
0x21: {  	s3 =	sadd.s32 s3, s9;
	s6 =	sadd.s32 @!p0 $0x88, s6;
	s7 =	simm.s32 @p2 $0x1082  }
0x22: {  	[simem:s7], [sflag:s8] =	dma.local @!p0 [hbm:s6], $0xF7A  }
0x23: {  	s9 =	sor.u32 $0xD0000000, s2;
	s6 =	simm.s32 $0x108;
	_ =	swait.ge @!p0 [sflag:s8], $0x0  }
0x24: {  	s3 =	sadd.s32 $0x88, s3;
	s6 =	simm.s32 @!p1 $0x1082;
	[sflag:s4] =	ssyncset.s32 $0xFFFFF086  }
0x25: {  	[simem:s6], [sflag:s4] =	dma.local [hbm:s3], $0xF7A  }
0x26: {  	[smem:$0x3F9D] =	sst s1;
	(tag) =	ssettag s2;
	_ =	strace s9  }
0x27: {  	s1 =	sld [smem:$0x3FAD]  }
0x28: {  	s2 =	sld [smem:$0x3FAE]  }
0x29: {  	s4 =	sld [smem:$0x3FB0]  }
0x2a: {  	p0 =	seq.s32 s5, $0x0;
	s5 =	sld [smem:$0x3FB1]  }
0x2b: {  	s6 =	sld [smem:$0x3FB2]  }
0x2c: {  	s7 =	sld [smem:$0x3FB3]  }
0x2d: {  	s3 =	simm.s32 $0x108;
	s8 =	sld [smem:$0x3FB4]  }
0x2e: {  	s3 =	simm.s32 @!p0 $0x1082;
	s9 =	sld [smem:$0x3FB5]  }
0x2f: {  	lr =	sadd.s32 s0, s3;
	s0 =	sld [smem:$0x3FAC]  }
0x30: {  	s3 =	sld [smem:$0x3FAF]  }
0x31: {  	[smem:$0x3FB8] =	sst s10  }
0x32: {  	s10 =	sld [smem:$0x3FB6];
	_ =	sdelay $0x3  }
0x33: {  	p0 =	seq.s32 s10, $0x1;
	s10 =	sld [smem:$0x3FB8];
	_ =	sdelay $0x3  }
0x34: {  	[smem:$0x3FB8] =	sst s10  }
0x35: {  	s10 =	sld [smem:$0x3FB7];
	_ =	sdelay $0x3  }
0x36: {  	p1 =	seq.s32 s10, $0x1;
	s10 =	sld [smem:$0x3FB8];
	_ =	sdelay $0x3  }
0x37: {  	[smem:$0x3FB8] =	sst s10  }
0x38: {  	s10 =	sld [smem:$0x3FB9]  }
0x39: {  	_ = 	snop;
	(pc) =	sbr.ind lr, $3  }
0x3a: {  	_ = 	snop  }
0x3b: {  	_ = 	snop  }
0x3c: {  	p2 =	seq.s32 s10, $0x1;
	s10 =	sld [smem:$0x3FB8]  }
0x3d: {  	_ =	shalt  }
0x3e: {  	_ =	shalt  }
0x3f: {  	_ =	shalt  }
0x40: {  	_ =	shalt  }
0x41: {  	_ =	shalt  }
0x42: {  	_ =	shalt  }
0x43: {  	_ =	shalt  }
0x44: {  	_ =	shalt  }
0x45: {  	_ =	shalt  }
0x46: {  	_ =	shalt  }
0x47: {  	_ =	shalt  }
0x48: {  	_ =	shalt  }
0x49: {  	_ =	shalt  }
0x4a: {  	_ =	shalt  }
0x4b: {  	_ =	shalt  }
0x4c: {  	_ =	shalt  }
0x4d: {  	_ =	shalt  }
0x4e: {  	_ =	shalt  }
0x4f: {  	_ =	shalt  }
0x50: {  	_ =	shalt  }
0x51: {  	_ =	shalt  }
0x52: {  	_ =	shalt  }
0x53: {  	_ =	shalt  }
0x54: {  	_ =	shalt  }
0x55: {  	_ =	shalt  }
0x56: {  	_ =	shalt  }
0x57: {  	_ =	shalt  }
0x58: {  	_ =	shalt  }
0x59: {  	_ =	shalt  }
0x5a: {  	_ =	shalt  }
0x5b: {  	_ =	shalt  }
0x5c: {  	_ =	shalt  }
0x5d: {  	_ =	shalt  }
0x5e: {  	_ =	shalt  }
0x5f: {  	_ =	shalt  }
0x60: {  	_ =	shalt  }
0x61: {  	_ =	shalt  }
0x62: {  	_ =	shalt  }
0x63: {  	_ =	shalt  }
0x64: {  	_ =	shalt  }
0x65: {  	_ =	shalt  }
0x66: {  	_ =	shalt  }
0x67: {  	_ =	shalt  }
0x68: {  	_ =	shalt  }
0x69: {  	_ =	shalt  }
0x6a: {  	_ =	shalt  }
0x6b: {  	_ =	shalt  }
0x6c: {  	_ =	shalt  }
0x6d: {  	_ =	shalt  }
0x6e: {  	_ =	shalt  }
0x6f: {  	_ =	shalt  }
0x70: {  	_ =	shalt  }
0x71: {  	_ =	shalt  }
0x72: {  	_ =	shalt  }
0x73: {  	_ =	shalt  }
0x74: {  	_ =	shalt  }
0x75: {  	_ =	shalt  }
0x76: {  	_ =	shalt  }
0x77: {  	_ =	shalt  }
0x78: {  	_ =	shalt  }
0x79: {  	_ =	shalt  }
0x7a: {  	_ =	shalt  }
0x7b: {  	_ =	shalt  }
0x7c: {  	_ =	shalt  }
0x7d: {  	_ =	shalt  }
0x7e: {  	_ =	shalt  }
0x7f: {  	_ =	shalt  }
0x80: {  	_ =	shalt  }
0x81: {  	_ =	shalt  }
0x82: {  	_ =	shalt  }
0x83: {  	_ =	shalt  }
0x84: {  	_ =	shalt  }
0x85: {  	_ =	shalt  }
0x86: {  	_ =	shalt  }
0x87: {  	_ =	shalt  }
.Lfunc_end0:
.L_simem_size_0:
called_computation_lowered:
.L_overlay_start_0:
0x88: {  	s2 =	sld [smem:$0x3FD9]  }
0x89: {  	s3 =	sld [smem:$0x3FFE];
	_ =	sdelay $0x1  }
0x8a: {  	s1 =	srdreg.scid  }
0x8b: {  	s0 =	sand.u32 $0x1, s1  }
0x8c: {  	s17 =	sshll.u32 s0, $0xA;
	s2 =	sadd.s32 s3, s2  }
0x8d: {  	s2 =	sadd.s32 s2, s17  }
0x8e: {  	[smem:$0x3FC4] =	sst s2  }
0x8f: {  	_ = 	snop  }
0x90: {  	s2 =	sld [smem:$0x3FC9]  }
0x91: {  	s18 =	sld [smem:$0x3FD0];
	(tm) =	ssettm $0x1  }
0x92: {  	s4 =	sld [smem:$0x3FFB];
	_ =	sdelay $0x3  }
0x93: {  	_ =	strace s4  }
0x94: {  	s4 =	sld [smem:$0x3FFC];
	_ =	sdelay $0x3  }
0x95: {  	_ =	strace s4  }
0x96: {  	s4 =	sld [smem:$0x3FFD];
	_ =	sdelay $0x3  }
0x97: {  	_ =	strace s4  }
0x98: {  	_ =	strace $0x8FFFFFFF  }
0x99: {  	s19 =	sld [smem:$0x3FDB];
	_ =	sdelay $0x1  }
0x9a: {  	s5 =	simm.s32 $_scs_section_size  }
0x9b: {  	s6 =	simm.s32 $_size__tile_overlayer_lowered;
	s7 =	simm.s32 $_tile_overlayer_lowered  }
0x9c: {  	s22 =	simm.s32 $0x1BFF;
	s21 =	sshll.u32 s7, $0x1;
	s4 =	sadd.s32 s5, s19  }
0x9d: {  	s8 =	simm.s32 $0x0;
	s20 =	sshll.u32 s6, $0x1;
	s6 =	sadd.s32 s21, s4  }
0x9e: {  	[timem:s8], [sflag:s22] =	dma.local [hbm:s6], s20  }
0x9f: {  	_ =	swait.ge [sflag:s22], s20  }
0xa0: {  	s5 =	ssub.s32 $0x0, s20;
	[sflag:s22] =	ssyncset.done $0x0  }
0xa1: {  	[sflag:s22] =	ssyncadd.s32 s5;
	_ =	sdelay $0x1  }
0xa2: {  	s23 =	simm.s32 $0x1B8B  }
0xa3: {  	_ =	swait.ge [sflag:s23], $0x1  }
0xa4: {  	[sflag:s23] =	ssyncset.done $0x0  }
0xa5: {  	s25 =	simm.s32 $0x1B8E;
	s24 =	sld [smem:$0x3FFE];
	[sflag:s23] =	ssyncadd.s32 $0xFFFFFFFF  }
0xa6: {  	s26 =	simm.s32 $execute0_lowered;
	[smem:$0x3FD2] =	sst s25  }
0xa7: {  	s6 =	sshll.u32 s26, $0x1;
	_ =	strace $0x80000046;
	[dreg:$0x1] =	wrdreg $0xFFFFFFFF  }
0xa8: {  	s28 =	simm.s32 $_size_execute0_lowered;
	s4 =	sadd.s32 s4, s6;
	[dreg:$0x0] =	wrdreg $0x0  }
0xa9: {  	s6 =	sshll.u32 s28, $0x1;
	[dreg:$0x2] =	wrdreg s4  }
0xaa: {  	[dreg:$0x3] =	wrdreg s6  }
0xab: {  	[dreg:$0x4] =	wrdreg $0xC0  }
0xac: {  	_ =	task [dreg:s8], $0x5FFFF  }
0xad: {  	[dreg:$0x1] =	wrdreg $0xFFFFFFFF  }
0xae: {  	[dreg:$0x0] =	wrdreg $0x60  }
0xaf: {  	[dreg:$0x2] =	wrdreg s2  }
0xb0: {  	[dreg:$0x3] =	wrdreg s24  }
0xb1: {  	[dreg:$0x4] =	wrdreg s18  }
0xb2: {  	[dreg:$0x5] =	wrdreg $0xB7800  }
0xb3: {  	[dreg:$0x6] =	wrdreg $0x9  }
0xb4: {  	_ =	task.clear_ibuf [dreg:s8], $0x7FFFF;
	_ =	strace $0x90000046  }
0xb5: {  	s29 =	simm.s32 $0x9;
	_ =	strace $0x80000048  }
0xb6: {  	_ =	swait.ge [sflag:s29], $0x1  }
0xb7: {  	[sflag:s29] =	ssyncadd.s32 $0xFFFFFFFF  }
0xb8: {  	_ =	strace $0x90000048  }
0xb9: {  	_ =	sfence  }
0xba: {  	s30 =	sld [smem:$0x0];
	_ =	sdelay $0x2  }
0xbb: {  	s31 =	sshll.u32 s1, $0xD;
	s1 =	sshrl.u32 s1, $0x2  }
0xbc: {  	s3 =	sand.u32 $0x4000, s31;
	s1 =	sadd.s32 s1, s30  }
0xbd: {  	s0 =	sor.u32 s3, s0;
	s1 =	sshll.u32 s1, $0x11  }
0xbe: {  	s0 =	sor.u32 s1, s0  }
0xbf: {  	s0 =	sadd.s32 $0x8F2B, s0  }
0xc0: {  	[sflag:s0] =	ssyncadd.remote.s32 $0x1  }
0xc1: {  	_ =	sfence.sel $0xFFFF  }
0xc2: {  	[dreg:$0x0] =	wrdreg $0xFFFFFFFF;
	(pc) =	sbr.abs _section_cstart, $3  }
0xc3: {  	[dreg:$0x1] =	wrdreg $0xFFFFFFFF  }
0xc4: {  	_ =	task.clear_ibuf [dreg:s8], $0x2FFFF;
	_ =	strace $0x9FFFFFFF  }
0xc5: {  	(tm) =	ssettm $0x7FFFFFFF  }
tec
execute0_lowered:
.L_overlay_start_1:
0x0: {  	(tag) =	ssettag $0x1  }
0x1: {  	s0 =	srdreg.scid;
	s1 =	rddreg [dreg:$0x0]  }
0x2: {  	s17 =	stileid.u32;
	s5 =	rddreg [dreg:$0x1]  }
0x3: {  	s12 =	rddreg [dreg:$0x2];
	s18 =	simm.s32 $0x2780;
	s28 =	simm.s32 $0x1  }
0x4: {  	s29 =	simm.s32 $0x3;
	s31 =	simm.s32 $0x2;
	s16 =	simm.s32 $0x4  }
0x5: {  	s30 =	simm.s32 $0x0;
	s0 =	sand.u32 $0x1, s0;
	s8 =	smul.u32 $0x50000, s17  }
0x6: {  	s2 =	sshll.u32 s17, $0x1;
	s3 =	sshrl.u32 s17, $0x2;
	s9 =	smul.u32 $0x2800, s17  }
0x7: {  	s14 =	sadd.s32 $0x1A000, s5;
	s11 =	smul.u32 $0x14000, s17;
	p0 =	seq.s32 s17, $0xF  }
0x8: {  	s2 =	sor.u32 s0, s2;
	s6 =	smul.u32 $0x13C00, s3;
	s3 =	rddreg [dreg:$0x3]  }
0x9: {  	s20 =	ssub.s32 $0x2, s0;
	s13 =	smul.u32 $0x138800, s0;
	p4 =	seq.s32 s0, $0x1  }
0xa: {  	s4 =	sshll.u32 s2, $0x7;
	s2 =	sshll.u32 s2, $0xB;
	s21 =	sshrl.u32 s20, $0x1  }
0xb: {  	s23 =	sshrl.u32 s8, $0x2;
	s8 =	sadd.s32 s1, s9;
	s9 =	sadd.s32 s12, s9  }
0xc: {  	s10 =	sadd.s32 $0x12C000, s3;
	s12 =	sadd.s32 $0x25800, s12;
	p1 =	por !p4, !p0  }
0xd: {  	p2 =	por p4, !p0;
	p3 =	por !p4, p0;
	p4 =	por p4, p0  }
0xe: {  	s7 =	sand.u32 $0x380, s4;
	s4 =	simm.s32 $0x0;
	s2 =	sadd.s32 s2, s5  }
0xf: {  	s15 =	ssub.s32 s20, s21;
	s24 =	sadd.s32 s11, s13;
	s11 =	sadd.s32 $0x25800, s1  }
0x10: {  	s25 =	sshrl.u32 s13, $0x3;
	s19 =	sshrl.u32 @!p1 s10, $0x3;
	s20 =	sshrl.u32 @!p2 s10, $0x3  }
0x11: {  	s6 =	sor.u32 s6, s7;
	[smem:$0x7FF] =	sst s4;
	s7 =	sadd.s32 s23, s3  }
0x12: {  	s0 =	sshrl.u32 s24, $0x3;
	s26 =	sadd.s32 s14, s25;
	s15 =	smax.u32 s15, $0x1  }
0x13: {  	s23 =	simm.s32 $0x50;
	s24 =	simm.s32 $0x6780;
	s25 =	simm.s32 $0x6  }
0x14: {  	s6 =	sshrl.u32 s6, $0x3;
	_ =	strace $0x80000047;
	s13 =	sadd.s32 s14, s0  }
0x15: {  	s14 =	sadd.s32 $0x25800, s26;
	s0 =	sshll.u32 @!p3 s17, $0x6;
	s6 =	sadd.s32 s6, s5  }
0x16: {  	s26 =	simm.s32 $0x8F80;
	s21 =	sor.u32 @!p3 $0x1C07, s0;
	s22 =	sadd.s32 $0x10200, s6  }
0x17: {  	s6 =	sadd.s32 $0x200, s2;
	[dreg:$0x5] =	wrdreg s22;
	s22 =	simm.s32 $0x5  }
.LBB2_1:
0x18: {  	s0 =	rddreg [dreg:$0x5];
	s2 =	simm.s32 $0x80;
	s5 =	simm.s32 $0x400  }
0x19: {  	[tilespmem:s4], [sflag:$0x5] =	stream.strided.gather [hbm4b:s0+s2], $0x2780, s5, s2, $0x38;
	[tilespmem:$0x1F000] =	vst v63  }
0x1a: {  	s0 =	simm.s32 @!p1 $0x1FC7  }
0x1b: {  	[tilespmem:s18], [sflag:$0x6] =	stream.linear.gather [hbm4b:s6+s4], $0x3E80, $0x38;
	[tilespmem:$0x1F000] =	vst v63  }
0x1c: {  	[spmem:s19], [sflag:s0] =	dma.local @!p1 [hbm:s12], $0x1900  }
0x1d: {  	s0 =	simm.s32 @!p1 $0x7  }
0x1e: {  	_ =	swait.ge @!p1 [sflag:s0], $0x1900  }
0x1f: {  	[sflag:s0] =	ssyncset.done @!p1 $0x0  }
0x20: {  	[sflag:s0] =	ssyncadd.s32 @!p1 $0xFFFFE700;
	s0 =	simm.s32 @!p2 $0x1FC7  }
0x21: {  	[spmem:s20], [sflag:s0] =	dma.local @!p2 [hbm:s11], $0x1900  }
0x22: {  	s0 =	simm.s32 @!p2 $0x7  }
0x23: {  	_ =	swait.ge @!p2 [sflag:s0], $0x1900  }
0x24: {  	[sflag:s0] =	ssyncset.done @!p2 $0x0  }
0x25: {  	[sflag:s0] =	ssyncadd.s32 @!p2 $0xFFFFE700;
	s0 =	sshrl.u32 @!p3 s7, $0x3  }
0x26: {  	[spmem:s0], [sflag:s21] =	dma.local @!p3 [hbm:s9], $0x2800  }
0x27: {  	s0 =	simm.s32 @!p3 $0x7  }
0x28: {  	_ =	swait.ge @!p3 [sflag:s0], $0x2800  }
0x29: {  	s2 =	sshll.u32 @!p4 s17, $0x6;
	[sflag:s0] =	ssyncset.done @!p3 $0x0  }
0x2a: {  	[sflag:s0] =	ssyncadd.s32 @!p3 $0xFFFFD800;
	s0 =	sor.u32 @!p4 $0x1C07, s2;
	s2 =	sshrl.u32 @!p4 s7, $0x3  }
0x2b: {  	[spmem:s2], [sflag:s0] =	dma.local @!p4 [hbm:s8], $0x2800  }
0x2c: {  	s0 =	simm.s32 @!p4 $0x7  }
0x2d: {  	_ =	swait.ge @!p4 [sflag:s0], $0x2800  }
0x2e: {  	[sflag:s0] =	ssyncset.done @!p4 $0x0  }
0x2f: {  	[sflag:s0] =	ssyncadd.s32 @!p4 $0xFFFFD800  }
0x30: {  	_ =	swait.ge [sflag:s22], $0x2780  }
0x31: {  	[sflag:s22] =	ssyncset.done $0x0  }
0x32: {  	[sflag:s22] =	ssyncadd.s32 $0xFFFFD880  }
0x33: {  	[tilespmem:s24], [sflag:$0x1] =	stream.indirect.gather [hbm4b:s1+s23], $0x80, s4, s23, $0xb8;
	[tilespmem:$0x1F000] =	vst v63  }
0x34: {  	_ =	swait.ge [sflag:s25], $0x3E80  }
0x35: {  	[sflag:s25] =	ssyncset.done $0x0  }
0x36: {  	[sflag:s25] =	ssyncadd.s32 $0xFFFFC180  }
0x37: {  	[bflag:$0x0] =	sbarrier.arrive $0xFFFF  }
0x38: {  	[tilespmem:s26], [sflag:$0x2] =	stream.indirect.gather [hbm4b:s1+s23], $0x80, s23, s23, $0xb8;
	[tilespmem:$0x1F000] =	vst v63  }
0x39: {  	_ =	swait.ge [sflag:s28], $0x2800  }
0x3a: {  	[sflag:s28] =	ssyncset.done $0x0  }
0x3b: {  	[sflag:s28] =	ssyncadd.s32 $0xFFFFD800  }
0x3c: {  	[spmem:s3] =	stream.indirect.scatter.add.f32 [tilespmem:s24], [sflag:$0x3], $0x80, s18, s23, $0xb8;
	[tilespmem:$0x1F000] =	vst v63  }
0x3d: {  	_ =	swait.ge [sflag:s29], $0x2800  }
0x3e: {  	[sflag:s29] =	ssyncset.done $0x0  }
0x3f: {  	s5 =	simm.s32 $0xA0;
	[sflag:s29] =	ssyncadd.s32 $0xFFFFD800  }
0x40: {  	[tilespmem:s24], [sflag:$0x1] =	stream.indirect.gather [hbm4b:s1+s23], $0x80, s5, s23, $0xb8;
	[tilespmem:$0x1F000] =	vst v63  }
0x41: {  	_ =	swait.ge [sflag:s31], $0x2800  }
0x42: {  	[sflag:s31] =	ssyncset.done $0x0  }
0x43: {  	s17 =	simm.s32 $0x2800;
	[sflag:s31] =	ssyncadd.s32 $0xFFFFD800  }
0x44: {  	[spmem:s3] =	stream.indirect.scatter.add.f32 [tilespmem:s26], [sflag:$0x4], $0x80, s17, s23, $0xb8;
	[tilespmem:$0x1F000] =	vst v63  }
0x45: {  	_ =	swait.ge [sflag:s16], $0x2800  }
0x46: {  	[sflag:s16] =	ssyncset.done $0x0  }
0x47: {  	s2 =	simm.s32 $0xF0;
	[sflag:s16] =	ssyncadd.s32 $0xFFFFD800  }
0x48: {  	[tilespmem:s26], [sflag:$0x2] =	stream.indirect.gather [hbm4b:s1+s23], $0x80, s2, s23, $0xb8;
	[tilespmem:$0x1F000] =	vst v63  }
0x49: {  	_ =	swait.ge [sflag:s28], $0x2800  }
0x4a: {  	[sflag:s28] =	ssyncset.done $0x0  }
0x4b: {  	s5 =	simm.s32 $0x2880;
	[sflag:s28] =	ssyncadd.s32 $0xFFFFD800  }
0x4c: {  	[spmem:s3] =	stream.indirect.scatter.add.f32 [tilespmem:s24], [sflag:$0x3], $0x80, s5, s23, $0xb8;
	[tilespmem:$0x1F000] =	vst v63  }
0x4d: {  	_ =	swait.ge [sflag:s29], $0x2800  }
0x4e: {  	[sflag:s29] =	ssyncset.done $0x0  }
0x4f: {  	s17 =	simm.s32 $0x140;
	[sflag:s29] =	ssyncadd.s32 $0xFFFFD800  }
0x50: {  	[tilespmem:s24], [sflag:$0x1] =	stream.indirect.gather [hbm4b:s1+s23], $0x80, s17, s23, $0xb8;
	[tilespmem:$0x1F000] =	vst v63  }
0x51: {  	_ =	swait.ge [sflag:s31], $0x2800  }
0x52: {  	s0 =	simm.s32 $0x2900;
	[sflag:s31] =	ssyncset.done $0x0  }
0x53: {  	s2 =	simm.s32 $0xFFFF1000;
	s17 =	simm.s32 $0x190;
	[sflag:s31] =	ssyncadd.s32 $0xFFFFD800  }
.LBB2_2:
0x54: {  	[spmem:s3] =	stream.indirect.scatter.add.f32 [tilespmem:s26], [sflag:$0x4], $0x80, s0, s23, $0xb8;
	[tilespmem:$0x1F000] =	vst v63  }
0x55: {  	s0 =	smov.u32 s2  }
0x56: {  	p5 =	sne.s32 s2, $0xFFFFFC00;
	s2 =	sadd.s32 $0x400, s2;
	_ =	swait.ge [sflag:s16], $0x2800  }
0x57: {  	[sflag:s16] =	ssyncset.done $0x0  }
0x58: {  	[sflag:s16] =	ssyncadd.s32 $0xFFFFD800  }
0x59: {  	[tilespmem:s26], [sflag:$0x2] =	stream.indirect.gather [hbm4b:s1+s23], $0x80, s17, s23, $0xb8;
	[tilespmem:$0x1F000] =	vst v63  }
0x5a: {  	_ =	swait.ge [sflag:s28], $0x2800  }
0x5b: {  	s0 =	sshra.s32 s0, $0x2;
	[sflag:s28] =	ssyncset.done $0x0  }
0x5c: {  	s5 =	sadd.s32 $0x6580, s0;
	[sflag:s28] =	ssyncadd.s32 $0xFFFFD800  }
0x5d: {  	[spmem:s3] =	stream.indirect.scatter.add.f32 [tilespmem:s24], [sflag:$0x3], $0x80, s5, s23, $0xb8;
	[tilespmem:$0x1F000] =	vst v63  }
0x5e: {  	_ =	swait.ge [sflag:s29], $0x2800  }
0x5f: {  	[sflag:s29] =	ssyncset.done $0x0  }
.Ltmp0:
0x60: {  	s5 =	sadd.s32 $0x50, s17;
	[sflag:s29] =	ssyncadd.s32 $0xFFFFD800;
	(pc) =	sbr.rel @p5 .LBB2_2-.Ltmp0, $4  }
0x61: {  	[tilespmem:s24], [sflag:$0x1] =	stream.indirect.gather [hbm4b:s1+s23], $0x80, s5, s23, $0xb8;
	[tilespmem:$0x1F000] =	vst v63  }
0x62: {  	_ =	swait.ge [sflag:s31], $0x2800  }
0x63: {  	[sflag:s31] =	ssyncset.done $0x0  }
0x64: {  	s0 =	sadd.s32 $0x6600, s0;
	s17 =	sadd.s32 $0xA0, s17;
	[sflag:s31] =	ssyncadd.s32 $0xFFFFD800  }
0x65: {  	[spmem:s3] =	stream.indirect.scatter.add.f32 [tilespmem:s26], [sflag:$0x4], $0x80, s0, s23, $0xb8;
	[tilespmem:$0x1F000] =	vst v63  }
0x66: {  	_ =	swait.ge [sflag:s28], $0x2800  }
0x67: {  	[sflag:s28] =	ssyncset.done $0x0  }
0x68: {  	s17 =	simm.s32 $0x6580;
	[sflag:s28] =	ssyncadd.s32 $0xFFFFD800  }
0x69: {  	[spmem:s3] =	stream.indirect.scatter.add.f32 [tilespmem:s24], [sflag:$0x3], $0x80, s17, s23, $0xb8;
	[tilespmem:$0x1F000] =	vst v63  }
0x6a: {  	_ =	swait.ge [sflag:s29], $0x2800  }
0x6b: {  	[sflag:s29] =	ssyncset.done $0x0  }
0x6c: {  	[sflag:s29] =	ssyncadd.s32 $0xFFFFD800  }
0x6d: {  	_ =	swait.ge [sflag:s16], $0x2800  }
0x6e: {  	[sflag:s16] =	ssyncset.done $0x0  }
0x6f: {  	[sflag:s16] =	ssyncadd.s32 $0xFFFFD800  }
0x70: {  	s0 =	sshrl.u32 @p0 s10, $0x3;
	s2 =	simm.s32 @p0 $0x1FC7;
	[bflag:$0x0] =	sbarrier.arrive $0xFFFF  }
0x71: {  	[hbm:s14], [sflag:s2] =	dma.local @p0 [spmem:s0], $0x1900  }
0x72: {  	s0 =	simm.s32 @p0 $0x7  }
0x73: {  	s30 =	sadd.s32 $0x1, s30;
	s17 =	stileid.u32;
	_ =	swait.ge @p0 [sflag:s0], $0x1900  }
0x74: {  	p5 =	sne.s32 s30, s15;
	s2 =	sshll.u32 @!p0 s17, $0x6;
	[sflag:s0] =	ssyncset.done @p0 $0x0  }
0x75: {  	[sflag:s0] =	ssyncadd.s32 @p0 $0xFFFFE700;
	s0 =	sor.u32 @!p0 $0x1C07, s2;
	s2 =	sshrl.u32 @!p0 s7, $0x3  }
0x76: {  	[hbm:s13], [sflag:s0] =	dma.local @!p0 [spmem:s2], $0x2800  }
.Ltmp1:
0x77: {  	_ = 	snop;
	(pc) =	sbr.rel @p5 .LBB2_1-.Ltmp1, $4  }
0x78: {  	s0 =	simm.s32 @!p0 $0x7  }
0x79: {  	_ =	swait.ge @!p0 [sflag:s0], $0x2800  }
0x7a: {  	[sflag:s0] =	ssyncset.done @!p0 $0x0  }
0x7b: {  	[sflag:s0] =	ssyncadd.s32 @!p0 $0xFFFFD800  }
0x7c: {  	_ =	sfence.sel $0x180000  }
0x7d: {  	[bflag:$0x0] =	sbarrier.arrive $0xFFFF  }
0x7e: {  	_ =	strace $0x90000047  }
0x7f: {  	[bflag:$0x2] =	sbarrier.arrive $0xFFFF  }
0x80: {  	p0 =	sne.s32 s17, $0x0;
	s0 =	rddreg [dreg:$0x4]  }
0x81: {  	s0 =	sadd.s32 @!p0 $0x100000, s0  }
0x82: {  	[sflag:s0] =	ssyncadd.tile.s32 @!p0 $0x1;
	_ =	shalt  }
.Lfunc_end2:
_tile_overlayer_lowered:
.L_overlay_start_2:
0x83: {  	(tag) =	ssettag $0x2  }
0x84: {  	s0 =	rddreg [dreg:$0x0];
	s2 =	stileid.u32  }
0x85: {  	s1 =	rddreg [dreg:$0x1];
	p0 =	sne.s32 s2, $0x0  }
0x86: {  	s3 =	rddreg [dreg:$0x2];
	[bflag:$0x3] =	sbarrier.arrive $0xFFFF;
	s2 =	simm.s32 @!p0 $0x1C07  }
0x87: {  	[timem:s3], [sflag:s2] =	dma.local @!p0 [hbm:s0], s1  }
0x88: {  	s0 =	simm.s32 @!p0 $0x7  }
0x89: {  	_ =	swait.ge @!p0 [sflag:s0], s1  }
0x8a: {  	s1 =	ssub.s32 @!p0 $0x0, s1;
	[sflag:s0] =	ssyncset.done @!p0 $0x0  }
0x8b: {  	[sflag:s0] =	ssyncadd.s32 @!p0 s1  }
0x8c: {  	[bflag:$0x3] =	sbarrier.arrive $0xFFFF  }
0x8d: {  	_ =	shalt  }

</sc_bundles>
